<compile_context>
chip_gen: v7x
topology: tpu7x:2x2x1
jax: 0.10.2.dev20260603
libtpu: 0.0.44.dev20260713+nightly
codegen_flags: <defaults>
</compile_context>

<pallas_src>
import functools

import jax
import jax.numpy as jnp
from jax import lax
from jax.experimental import pallas as pl
from jax.experimental.pallas import tpu as pltpu
from jax.experimental.pallas import tpu_sc as plsc

_C = 16
_N = 4096
_D = 512
_ALPHA = 0.5
_BETA = 0.5

_NW = 32
_RPW = _N // _NW
_CHUNKS = _D // 16


def _tree_sum(vals):
    while len(vals) > 1:
        nxt = [vals[i] + vals[i + 1] for i in range(0, len(vals) - 1, 2)]
        if len(vals) % 2:
            nxt.append(vals[-1])
        vals = nxt
    return vals[0]


def _sc_main(e_hbm, lab_hbm, out_sum, out_q, out_c,
             idx_v, rows_v, lab_v, asum, qacc, cacc, lsem, dsem, dsem2):
    cid = lax.axis_index("c")
    sid = lax.axis_index("s")
    wid = cid * 16 + sid
    base = wid * _RPW
    cp_lab = pltpu.make_async_copy(lab_hbm.at[pl.ds(base, _RPW)],
                                  lab_v.at[pl.ds(0, _RPW)], lsem)
    cp_lab.start()
    lane = lax.iota(jnp.int32, 16)

    def ibody(t, _):
        idx_v[pl.ds(t * 16, 16)] = base + t * 16 + lane
        return 0

    lax.fori_loop(0, _RPW // 16, ibody, 0)
    half = _RPW // 2
    cp_rows0 = pltpu.make_async_copy(
        e_hbm.at[idx_v.at[pl.ds(0, half)]],
        rows_v.at[pl.ds(0, half), :], dsem)
    cp_rows0.start()
    cp_rows1 = pltpu.make_async_copy(
        e_hbm.at[idx_v.at[pl.ds(half, half)]],
        rows_v.at[pl.ds(half, half), :], dsem2)
    cp_rows1.start()

    z = jnp.zeros((16,), jnp.float32)

    def zbody(i, _):
        asum[i >> 5, pl.ds((i & 31) * 16, 16)] = z
        return 0

    lax.fori_loop(0, _C * _CHUNKS, zbody, 0)

    def zbody2(c, _):
        qacc[c, :] = z
        cacc[c, :] = z
        return 0

    lax.fori_loop(0, _C, zbody2, 0)
    cp_lab.wait()
    ones = jnp.ones((16,), jnp.float32)

    def rbody(r, _):
        lv = lab_v[pl.ds(r, 16)]
        lab = lv[0]
        xs = [rows_v[r, pl.ds(j * 16, 16)] for j in range(_CHUNKS)]
        sq = _tree_sum([x * x for x in xs])
        for j in range(_CHUNKS):
            plsc.addupdate(asum.at[lab, pl.ds(j * 16, 16)], xs[j])
        plsc.addupdate(qacc.at[lab, :], sq)
        plsc.addupdate(cacc.at[lab, :], ones)
        return 0

    cp_rows0.wait()
    lax.fori_loop(0, _RPW // 2, rbody, 0)
    cp_rows1.wait()
    lax.fori_loop(_RPW // 2, _RPW, rbody, 0)
    pltpu.sync_copy(asum, out_sum.at[wid])
    pltpu.sync_copy(qacc, out_q.at[wid])
    pltpu.sync_copy(cacc, out_c.at[wid])


_sc_call = functools.partial(
    pl.kernel,
    mesh=plsc.VectorSubcoreMesh(core_axis_name="c", subcore_axis_name="s"),
    out_type=[
        jax.ShapeDtypeStruct((_NW, _C, _D), jnp.float32),
        jax.ShapeDtypeStruct((_NW, _C, 16), jnp.float32),
        jax.ShapeDtypeStruct((_NW, _C, 16), jnp.float32),
    ],
    scratch_types=[
        pltpu.VMEM((_RPW,), jnp.int32),
        pltpu.VMEM((_RPW, _D), jnp.float32),
        pltpu.VMEM((_RPW + 16,), jnp.int32),
        pltpu.VMEM((_C, _D), jnp.float32),
        pltpu.VMEM((_C, 16), jnp.float32),
        pltpu.VMEM((_C, 16), jnp.float32),
        pltpu.SemaphoreType.DMA,
        pltpu.SemaphoreType.DMA,
        pltpu.SemaphoreType.DMA,
    ],
)(_sc_main)


def _finish_body(ps_ref, pq_ref, pc_ref, o_ref):
    sums = jnp.sum(ps_ref[...], axis=0)
    s2 = jnp.sum(jnp.sum(pq_ref[...], axis=0), axis=1,
                 keepdims=True)
    counts = jnp.sum(pc_ref[...], axis=0)[:, :1]
    safe = jnp.maximum(counts, 1.0)
    p2 = jnp.sum(sums * sums, axis=1, keepdims=True)
    intra_c = (s2 - p2 / safe) / (safe * _D)
    intra = jnp.sum(jnp.where(counts > 1.0, intra_c, 0.0))
    means = sums / safe
    mnorm2 = jnp.sum(means * means)
    tot = jnp.sum(means, axis=0, keepdims=True)
    inter = (_C * mnorm2 - jnp.sum(tot * tot)) / _D
    o_ref[0, 0] = _ALPHA * intra + _BETA * inter


def kernel(embeddings, labels):
    lab_i32 = jnp.asarray(labels, jnp.int32)
    psum, pq, pc = _sc_call(embeddings, lab_i32)
    out = pl.pallas_call(
        _finish_body,
        out_shape=jax.ShapeDtypeStruct((1, 1), jnp.float32),
        in_specs=[
            pl.BlockSpec(memory_space=pltpu.VMEM),
            pl.BlockSpec(memory_space=pltpu.VMEM),
            pl.BlockSpec(memory_space=pltpu.VMEM),
        ],
        out_specs=pl.BlockSpec(memory_space=pltpu.SMEM),
    )(psum, pq, pc)
    return out[0, 0]

# --- scband reference (transcript-rebuilt; emitter-appended) ---
"""Pipeline reference for scband-island-loss-38482906972500 (READ-ONLY COPY).

The authoritative reference and input builder live on the scoring server;
editing this copy changes nothing except your own understanding.
"""

import jax, jax.numpy as jnp
import numpy as np

NUM_CLASSES = 16
ALPHA = 0.5
BETA = 0.5


def setup_inputs(seed: int = 0) -> dict:
    key = jax.random.key(seed)
    k1, k2 = jax.random.split(key)
    embeddings = jax.random.normal(k1, (4096, 512), dtype=jnp.float32)
    labels = jax.random.randint(k2, (4096,), 0, NUM_CLASSES)
    return {"embeddings": embeddings, "labels": labels}


def _island_loss(embeddings, labels):
    d = embeddings.shape[1]
    means = []
    counts = []
    intra = jnp.float32(0.0)
    for c in range(NUM_CLASSES):
        mask = (labels == c).astype(embeddings.dtype)
        count = mask.sum()
        safe = jnp.maximum(count, 1.0)
        mean = (embeddings * mask[:, None]).sum(axis=0) / safe
        means.append(mean)
        counts.append(count)
        # F.mse_loss(class_embeddings, mean.expand_as(...)) with 'mean' reduction:
        # sum of squared diffs over the n_c x d block / (n_c * d), only if n_c > 1
        diff = (embeddings - mean[None, :]) * mask[:, None]
        sq = jnp.sum(diff * diff)
        loss_c = sq / (safe * d)
        intra = intra + jnp.where(count > 1, loss_c, 0.0)
    inter = jnp.float32(0.0)
    for i in range(NUM_CLASSES):
        for j in range(i + 1, NUM_CLASSES):
            # F.mse_loss(mean_i, mean_j) = mean over d of squared diff
            dm = means[i] - means[j]
            inter = inter + jnp.mean(dm * dm)
    return ALPHA * intra + BETA * inter


def reference(embeddings, labels):
    return _island_loss(embeddings, labels)

if __name__ == "__main__":
    import jax
    _d = setup_inputs()
    print(jax.jit(kernel)(*tuple(_d.values())))

</pallas_src>

<mosaic_0001>
#map = affine_map<(d0, d1) -> (0, 0)>
#map1 = affine_map<(d0, d1) -> (0)>
#map2 = affine_map<(d0, d1) -> (0, 0, 0)>
module attributes {stable_mosaic.version = 14 : i64} {
  func.func @_sc_main(%arg0: i32, %arg1: i32, %arg2: memref<4096x512xf32, #tpu.memory_space<hbm>>, %arg3: memref<4096xi32, #tpu.memory_space<hbm>>, %arg4: memref<32x16x512xf32, #tpu.memory_space<hbm>>, %arg5: memref<32x16x16xf32, #tpu.memory_space<hbm>>, %arg6: memref<32x16x16xf32, #tpu.memory_space<hbm>>, %arg7: memref<128xi32, #tpu.memory_space<vmem>>, %arg8: memref<128x512xf32, #tpu.memory_space<vmem>>, %arg9: memref<144xi32, #tpu.memory_space<vmem>>, %arg10: memref<16x512xf32, #tpu.memory_space<vmem>>, %arg11: memref<16x16xf32, #tpu.memory_space<vmem>>, %arg12: memref<16x16xf32, #tpu.memory_space<vmem>>, %arg13: memref<!tpu.dma_semaphore, #tpu.memory_space<semaphore_mem>>, %arg14: memref<!tpu.dma_semaphore, #tpu.memory_space<semaphore_mem>>, %arg15: memref<!tpu.dma_semaphore, #tpu.memory_space<semaphore_mem>>) attributes {dimension_semantics = [#tpu.dimension_semantics<core_parallel>, #tpu.dimension_semantics<subcore_parallel>], iteration_bounds = array<i64: 2, 16>, scalar_prefetch = 0 : i64, scratch_operands = 9 : i64, tpu.core_type = #tpu.core_type<sc_vector_subcore>, window_params = [{transform_indices = #map}, {transform_indices = #map1}, {transform_indices = #map2}, {transform_indices = #map2}, {transform_indices = #map2}]} {
    %mul3A = arith.constant 16 : i32
    %mul3A_0 = arith.muli %arg0, %mul3A : i32
    %add3A = arith.addi %mul3A_0, %arg1 : i32
    %mul3A_1 = arith.constant 128 : i32
    %mul3A_2 = arith.muli %add3A, %mul3A_1 : i32
    %dma_start3A = arith.constant 0 : i32
    %dma_start3A_3 = tpu.memref_slice %arg9[%dma_start3A] : memref<144xi32, #tpu.memory_space<vmem>> -> memref<128xi32, #tpu.memory_space<vmem>>
    %dma_start3A_4 = tpu.memref_slice %arg3[%mul3A_2] : memref<4096xi32, #tpu.memory_space<hbm>> -> memref<128xi32, #tpu.memory_space<hbm>>
    %dma_start3A_5 = arith.constant 0 : i32
    %dma_start3A_6 = tpu.memref_slice %arg9[%dma_start3A_5] : memref<144xi32, #tpu.memory_space<vmem>> -> memref<128xi32, #tpu.memory_space<vmem>>
    %dma_start3A_7 = tpu.memref_slice %arg3[%mul3A_2] : memref<4096xi32, #tpu.memory_space<hbm>> -> memref<128xi32, #tpu.memory_space<hbm>>
    tpu.enqueue_dma source(%dma_start3A_7 : memref<128xi32, #tpu.memory_space<hbm>>) target(%dma_start3A_6 : memref<128xi32, #tpu.memory_space<vmem>>) target_semaphore(%arg13 : memref<!tpu.dma_semaphore, #tpu.memory_space<semaphore_mem>>)
    %iota3A = tpu.iota {dimensions = array<i32: 0>} : vector<16xi32>
    %scan3A = arith.constant 0 : i32
    %scan3A_8 = arith.constant 0 : i32
    %scan3A_9 = arith.constant 8 : i32
    %scan3A_10 = arith.addi %scan3A_8, %scan3A_9 : i32
    %scan3A_11 = arith.constant 1 : i32
    %scan3A_12 = scf.for %scan3A_82 = %scan3A_8 to %scan3A_10 step %scan3A_11 iter_args(%scan3A_83 = %scan3A) -> (i32)  : i32 {
      %mul3A_84 = arith.constant 16 : i32
      %mul3A_85 = arith.muli %scan3A_82, %mul3A_84 : i32
      %add3A_86 = arith.addi %mul3A_2, %mul3A_85 : i32
      %add3A_87 = vector.broadcast %add3A_86 : i32 to vector<16xi32>
      %add3A_88 = arith.addi %add3A_87, %iota3A : vector<16xi32>
      %mul3A_89 = arith.constant 16 : i32
      %mul3A_90 = arith.muli %scan3A_82, %mul3A_89 : i32
      %swap3A = arith.index_cast %mul3A_90 : i32 to index
      %swap3A_91 = tpu.vector_load %arg7[%swap3A] {strides = array<i32>} : memref<128xi32, #tpu.memory_space<vmem>>, vector<16xi32>,
      %swap3A_92 = vector.shape_cast %swap3A_91 : vector<16xi32> to vector<16xi32>
      %swap3A_93 = vector.shape_cast %add3A_88 : vector<16xi32> to vector<16xi32>
      tpu.vector_store %arg7[%swap3A], %swap3A_93 {strides = array<i32>} : memref<128xi32, #tpu.memory_space<vmem>>, vector<16xi32>,
      %scan3A_94 = arith.constant 0 : i32
      scf.yield %scan3A_94 : i32
    }
    %scan3A_13 = arith.constant 8 : i32
    %dma_start3A_14 = arith.constant 0 : i32
    %dma_start3A_15 = arith.constant 0 : i32
    %dma_start3A_16 = tpu.memref_slice %arg8[%dma_start3A_14, %dma_start3A_15] : memref<128x512xf32, #tpu.memory_space<vmem>> -> memref<64x512xf32, #tpu.memory_space<vmem>>
    %dma_start3A_17 = arith.constant 0 : i32
    %dma_start3A_18 = tpu.memref_slice %arg7[%dma_start3A_17] : memref<128xi32, #tpu.memory_space<vmem>> -> memref<64xi32, #tpu.memory_space<vmem>>
    %dma_start3A_19 = arith.constant 0 : i32
    %dma_start3A_20 = arith.constant 0 : i32
    %dma_start3A_21 = tpu.memref_slice %arg2[%dma_start3A_19, %dma_start3A_20] : memref<4096x512xf32, #tpu.memory_space<hbm>> -> memref<4096x512xf32, #tpu.memory_space<hbm>>
    tpu.enqueue_indirect_dma source(%dma_start3A_21 : memref<4096x512xf32, #tpu.memory_space<hbm>>) target(%dma_start3A_16 : memref<64x512xf32, #tpu.memory_space<vmem>>) offsets(%dma_start3A_18 : memref<64xi32, #tpu.memory_space<vmem>>) semaphore(%arg14 : memref<!tpu.dma_semaphore, #tpu.memory_space<semaphore_mem>>)
    %dma_start3A_22 = arith.constant 64 : i32
    %dma_start3A_23 = arith.constant 0 : i32
    %dma_start3A_24 = tpu.memref_slice %arg8[%dma_start3A_22, %dma_start3A_23] : memref<128x512xf32, #tpu.memory_space<vmem>> -> memref<64x512xf32, #tpu.memory_space<vmem>>
    %dma_start3A_25 = arith.constant 64 : i32
    %dma_start3A_26 = tpu.memref_slice %arg7[%dma_start3A_25] : memref<128xi32, #tpu.memory_space<vmem>> -> memref<64xi32, #tpu.memory_space<vmem>>
    %dma_start3A_27 = arith.constant 0 : i32
    %dma_start3A_28 = arith.constant 0 : i32
    %dma_start3A_29 = tpu.memref_slice %arg2[%dma_start3A_27, %dma_start3A_28] : memref<4096x512xf32, #tpu.memory_space<hbm>> -> memref<4096x512xf32, #tpu.memory_space<hbm>>
    tpu.enqueue_indirect_dma source(%dma_start3A_29 : memref<4096x512xf32, #tpu.memory_space<hbm>>) target(%dma_start3A_24 : memref<64x512xf32, #tpu.memory_space<vmem>>) offsets(%dma_start3A_26 : memref<64xi32, #tpu.memory_space<vmem>>) semaphore(%arg15 : memref<!tpu.dma_semaphore, #tpu.memory_space<semaphore_mem>>)
    %broadcast_in_dim3A = arith.constant 0.000000e+00 : f32
    %broadcast_in_dim3A_30 = vector.broadcast %broadcast_in_dim3A : f32 to vector<16xf32>
    %scan3A_31 = arith.constant 0 : i32
    %scan3A_32 = arith.constant 0 : i32
    %scan3A_33 = arith.constant 512 : i32
    %scan3A_34 = arith.addi %scan3A_32, %scan3A_33 : i32
    %scan3A_35 = arith.constant 1 : i32
    %scan3A_36 = scf.for %scan3A_82 = %scan3A_32 to %scan3A_34 step %scan3A_35 iter_args(%scan3A_83 = %scan3A_31) -> (i32)  : i32 {
      %shift_right_arithmetic3A = arith.constant 5 : i32
      %shift_right_arithmetic3A_84 = arith.shrsi %scan3A_82, %shift_right_arithmetic3A : i32
      %and3A = arith.constant 31 : i32
      %and3A_85 = arith.andi %scan3A_82, %and3A : i32
      %mul3A_86 = arith.constant 16 : i32
      %mul3A_87 = arith.muli %and3A_85, %mul3A_86 : i32
      %swap3A = arith.index_cast %shift_right_arithmetic3A_84 : i32 to index
      %swap3A_88 = arith.index_cast %mul3A_87 : i32 to index
      %swap3A_89 = tpu.vector_load %arg10[%swap3A, %swap3A_88] {strides = array<i32>} : memref<16x512xf32, #tpu.memory_space<vmem>>, vector<1x16xf32>,
      %swap3A_90 = vector.shape_cast %swap3A_89 : vector<1x16xf32> to vector<16xf32>
      %swap3A_91 = vector.shape_cast %broadcast_in_dim3A_30 : vector<16xf32> to vector<1x16xf32>
      tpu.vector_store %arg10[%swap3A, %swap3A_88], %swap3A_91 {strides = array<i32>} : memref<16x512xf32, #tpu.memory_space<vmem>>, vector<1x16xf32>,
      %scan3A_92 = arith.constant 0 : i32
      scf.yield %scan3A_92 : i32
    }
    %scan3A_37 = arith.constant 512 : i32
    %scan3A_38 = arith.constant 0 : i32
    %scan3A_39 = arith.constant 0 : i32
    %scan3A_40 = arith.constant 16 : i32
    %scan3A_41 = arith.addi %scan3A_39, %scan3A_40 : i32
    %scan3A_42 = arith.constant 1 : i32
    %scan3A_43 = scf.for %scan3A_82 = %scan3A_39 to %scan3A_41 step %scan3A_42 iter_args(%scan3A_83 = %scan3A_38) -> (i32)  : i32 {
      %swap3A = arith.index_cast %scan3A_82 : i32 to index
      %swap3A_84 = arith.constant 0 : index
      %swap3A_85 = tpu.vector_load %arg11[%swap3A, %swap3A_84] {strides = array<i32>} : memref<16x16xf32, #tpu.memory_space<vmem>>, vector<1x16xf32>,
      %swap3A_86 = vector.shape_cast %swap3A_85 : vector<1x16xf32> to vector<16xf32>
      %swap3A_87 = vector.shape_cast %broadcast_in_dim3A_30 : vector<16xf32> to vector<1x16xf32>
      tpu.vector_store %arg11[%swap3A, %swap3A_84], %swap3A_87 {strides = array<i32>} : memref<16x16xf32, #tpu.memory_space<vmem>>, vector<1x16xf32>,
      %swap3A_88 = arith.index_cast %scan3A_82 : i32 to index
      %swap3A_89 = arith.constant 0 : index
      %swap3A_90 = tpu.vector_load %arg12[%swap3A_88, %swap3A_89] {strides = array<i32>} : memref<16x16xf32, #tpu.memory_space<vmem>>, vector<1x16xf32>,
      %swap3A_91 = vector.shape_cast %swap3A_90 : vector<1x16xf32> to vector<16xf32>
      %swap3A_92 = vector.shape_cast %broadcast_in_dim3A_30 : vector<16xf32> to vector<1x16xf32>
      tpu.vector_store %arg12[%swap3A_88, %swap3A_89], %swap3A_92 {strides = array<i32>} : memref<16x16xf32, #tpu.memory_space<vmem>>, vector<1x16xf32>,
      %scan3A_93 = arith.constant 0 : i32
      scf.yield %scan3A_93 : i32
    }
    %scan3A_44 = arith.constant 16 : i32
    %dma_wait3A = arith.constant 0 : i32
    %dma_wait3A_45 = tpu.memref_slice %arg9[%dma_wait3A] : memref<144xi32, #tpu.memory_space<vmem>> -> memref<128xi32, #tpu.memory_space<vmem>>
    %dma_wait3A_46 = tpu.memref_slice %arg3[%mul3A_2] : memref<4096xi32, #tpu.memory_space<hbm>> -> memref<128xi32, #tpu.memory_space<hbm>>
    %dma_wait3A_47 = arith.constant 0 : i32
    %dma_wait3A_48 = tpu.memref_slice %arg9[%dma_wait3A_47] : memref<144xi32, #tpu.memory_space<vmem>> -> memref<128xi32, #tpu.memory_space<vmem>>
    %dma_wait3A_49 = tpu.memref_slice %arg3[%mul3A_2] : memref<4096xi32, #tpu.memory_space<hbm>> -> memref<128xi32, #tpu.memory_space<hbm>>
    tpu.wait_dma2 semaphore(%arg13 : memref<!tpu.dma_semaphore, #tpu.memory_space<semaphore_mem>>) src(%dma_wait3A_49 : memref<128xi32, #tpu.memory_space<hbm>>) dst(%dma_wait3A_48 : memref<128xi32, #tpu.memory_space<vmem>>)
    %broadcast_in_dim3A_50 = arith.constant 1.000000e+00 : f32
    %broadcast_in_dim3A_51 = vector.broadcast %broadcast_in_dim3A_50 : f32 to vector<16xf32>
    %dma_wait3A_52 = arith.constant 0 : i32
    %dma_wait3A_53 = arith.constant 0 : i32
    %dma_wait3A_54 = tpu.memref_slice %arg8[%dma_wait3A_52, %dma_wait3A_53] : memref<128x512xf32, #tpu.memory_space<vmem>> -> memref<64x512xf32, #tpu.memory_space<vmem>>
    %dma_wait3A_55 = arith.constant 0 : i32
    %dma_wait3A_56 = tpu.memref_slice %arg7[%dma_wait3A_55] : memref<128xi32, #tpu.memory_space<vmem>> -> memref<64xi32, #tpu.memory_space<vmem>>
    %dma_wait3A_57 = arith.constant 0 : i32
    %dma_wait3A_58 = arith.constant 0 : i32
    %dma_wait3A_59 = tpu.memref_slice %arg2[%dma_wait3A_57, %dma_wait3A_58] : memref<4096x512xf32, #tpu.memory_space<hbm>> -> memref<4096x512xf32, #tpu.memory_space<hbm>>
    tpu.wait_indirect_dma semaphore(%arg14 : memref<!tpu.dma_semaphore, #tpu.memory_space<semaphore_mem>>) src(%dma_wait3A_59 : memref<4096x512xf32, #tpu.memory_space<hbm>>) dst(%dma_wait3A_54 : memref<64x512xf32, #tpu.memory_space<vmem>>)
    %scan3A_60 = arith.constant 0 : i32
    %scan3A_61 = arith.constant 0 : i32
    %scan3A_62 = arith.constant 64 : i32
    %scan3A_63 = arith.addi %scan3A_61, %scan3A_62 : i32
    %scan3A_64 = arith.constant 1 : i32
    %scan3A_65 = scf.for %scan3A_82 = %scan3A_61 to %scan3A_63 step %scan3A_64 iter_args(%scan3A_83 = %scan3A_60) -> (i32)  : i32 {
      %get3A = arith.index_cast %scan3A_82 : i32 to index
      %get3A_84 = tpu.vector_load %arg9[%get3A] {strides = array<i32>} : memref<144xi32, #tpu.memory_space<vmem>>, vector<16xi32>,
      %get3A_85 = vector.shape_cast %get3A_84 : vector<16xi32> to vector<16xi32>
      %slice3A = vector.extract_strided_slice %get3A_85 {offsets = [0], sizes = [1], strides = [1]} : vector<16xi32> to vector<1xi32>
      %squeeze3A = vector.extract %slice3A[0] : i32 from vector<1xi32>
      %get3A_86 = arith.index_cast %scan3A_82 : i32 to index
      %get3A_87 = arith.constant 0 : index
      %get3A_88 = tpu.vector_load %arg8[%get3A_86, %get3A_87] {strides = array<i32>} : memref<128x512xf32, #tpu.memory_space<vmem>>, vector<1x16xf32>,
      %get3A_89 = vector.shape_cast %get3A_88 : vector<1x16xf32> to vector<16xf32>
      %get3A_90 = arith.index_cast %scan3A_82 : i32 to index
      %get3A_91 = arith.constant 16 : index
      %get3A_92 = tpu.vector_load %arg8[%get3A_90, %get3A_91] {strides = array<i32>} : memref<128x512xf32, #tpu.memory_space<vmem>>, vector<1x16xf32>,
      %get3A_93 = vector.shape_cast %get3A_92 : vector<1x16xf32> to vector<16xf32>
      %get3A_94 = arith.index_cast %scan3A_82 : i32 to index
      %get3A_95 = arith.constant 32 : index
      %get3A_96 = tpu.vector_load %arg8[%get3A_94, %get3A_95] {strides = array<i32>} : memref<128x512xf32, #tpu.memory_space<vmem>>, vector<1x16xf32>,
      %get3A_97 = vector.shape_cast %get3A_96 : vector<1x16xf32> to vector<16xf32>
      %get3A_98 = arith.index_cast %scan3A_82 : i32 to index
      %get3A_99 = arith.constant 48 : index
      %get3A_100 = tpu.vector_load %arg8[%get3A_98, %get3A_99] {strides = array<i32>} : memref<128x512xf32, #tpu.memory_space<vmem>>, vector<1x16xf32>,
      %get3A_101 = vector.shape_cast %get3A_100 : vector<1x16xf32> to vector<16xf32>
      %get3A_102 = arith.index_cast %scan3A_82 : i32 to index
      %get3A_103 = arith.constant 64 : index
      %get3A_104 = tpu.vector_load %arg8[%get3A_102, %get3A_103] {strides = array<i32>} : memref<128x512xf32, #tpu.memory_space<vmem>>, vector<1x16xf32>,
      %get3A_105 = vector.shape_cast %get3A_104 : vector<1x16xf32> to vector<16xf32>
      %get3A_106 = arith.index_cast %scan3A_82 : i32 to index
      %get3A_107 = arith.constant 80 : index
      %get3A_108 = tpu.vector_load %arg8[%get3A_106, %get3A_107] {strides = array<i32>} : memref<128x512xf32, #tpu.memory_space<vmem>>, vector<1x16xf32>,
      %get3A_109 = vector.shape_cast %get3A_108 : vector<1x16xf32> to vector<16xf32>
      %get3A_110 = arith.index_cast %scan3A_82 : i32 to index
      %get3A_111 = arith.constant 96 : index
      %get3A_112 = tpu.vector_load %arg8[%get3A_110, %get3A_111] {strides = array<i32>} : memref<128x512xf32, #tpu.memory_space<vmem>>, vector<1x16xf32>,
      %get3A_113 = vector.shape_cast %get3A_112 : vector<1x16xf32> to vector<16xf32>
      %get3A_114 = arith.index_cast %scan3A_82 : i32 to index
      %get3A_115 = arith.constant 112 : index
      %get3A_116 = tpu.vector_load %arg8[%get3A_114, %get3A_115] {strides = array<i32>} : memref<128x512xf32, #tpu.memory_space<vmem>>, vector<1x16xf32>,
      %get3A_117 = vector.shape_cast %get3A_116 : vector<1x16xf32> to vector<16xf32>
      %get3A_118 = arith.index_cast %scan3A_82 : i32 to index
      %get3A_119 = arith.constant 128 : index
      %get3A_120 = tpu.vector_load %arg8[%get3A_118, %get3A_119] {strides = array<i32>} : memref<128x512xf32, #tpu.memory_space<vmem>>, vector<1x16xf32>,
      %get3A_121 = vector.shape_cast %get3A_120 : vector<1x16xf32> to vector<16xf32>
      %get3A_122 = arith.index_cast %scan3A_82 : i32 to index
      %get3A_123 = arith.constant 144 : index
      %get3A_124 = tpu.vector_load %arg8[%get3A_122, %get3A_123] {strides = array<i32>} : memref<128x512xf32, #tpu.memory_space<vmem>>, vector<1x16xf32>,
      %get3A_125 = vector.shape_cast %get3A_124 : vector<1x16xf32> to vector<16xf32>
      %get3A_126 = arith.index_cast %scan3A_82 : i32 to index
      %get3A_127 = arith.constant 160 : index
      %get3A_128 = tpu.vector_load %arg8[%get3A_126, %get3A_127] {strides = array<i32>} : memref<128x512xf32, #tpu.memory_space<vmem>>, vector<1x16xf32>,
      %get3A_129 = vector.shape_cast %get3A_128 : vector<1x16xf32> to vector<16xf32>
      %get3A_130 = arith.index_cast %scan3A_82 : i32 to index
      %get3A_131 = arith.constant 176 : index
      %get3A_132 = tpu.vector_load %arg8[%get3A_130, %get3A_131] {strides = array<i32>} : memref<128x512xf32, #tpu.memory_space<vmem>>, vector<1x16xf32>,
      %get3A_133 = vector.shape_cast %get3A_132 : vector<1x16xf32> to vector<16xf32>
      %get3A_134 = arith.index_cast %scan3A_82 : i32 to index
      %get3A_135 = arith.constant 192 : index
      %get3A_136 = tpu.vector_load %arg8[%get3A_134, %get3A_135] {strides = array<i32>} : memref<128x512xf32, #tpu.memory_space<vmem>>, vector<1x16xf32>,
      %get3A_137 = vector.shape_cast %get3A_136 : vector<1x16xf32> to vector<16xf32>
      %get3A_138 = arith.index_cast %scan3A_82 : i32 to index
      %get3A_139 = arith.constant 208 : index
      %get3A_140 = tpu.vector_load %arg8[%get3A_138, %get3A_139] {strides = array<i32>} : memref<128x512xf32, #tpu.memory_space<vmem>>, vector<1x16xf32>,
      %get3A_141 = vector.shape_cast %get3A_140 : vector<1x16xf32> to vector<16xf32>
      %get3A_142 = arith.index_cast %scan3A_82 : i32 to index
      %get3A_143 = arith.constant 224 : index
      %get3A_144 = tpu.vector_load %arg8[%get3A_142, %get3A_143] {strides = array<i32>} : memref<128x512xf32, #tpu.memory_space<vmem>>, vector<1x16xf32>,
      %get3A_145 = vector.shape_cast %get3A_144 : vector<1x16xf32> to vector<16xf32>
      %get3A_146 = arith.index_cast %scan3A_82 : i32 to index
      %get3A_147 = arith.constant 240 : index
      %get3A_148 = tpu.vector_load %arg8[%get3A_146, %get3A_147] {strides = array<i32>} : memref<128x512xf32, #tpu.memory_space<vmem>>, vector<1x16xf32>,
      %get3A_149 = vector.shape_cast %get3A_148 : vector<1x16xf32> to vector<16xf32>
      %get3A_150 = arith.index_cast %scan3A_82 : i32 to index
      %get3A_151 = arith.constant 256 : index
      %get3A_152 = tpu.vector_load %arg8[%get3A_150, %get3A_151] {strides = array<i32>} : memref<128x512xf32, #tpu.memory_space<vmem>>, vector<1x16xf32>,
      %get3A_153 = vector.shape_cast %get3A_152 : vector<1x16xf32> to vector<16xf32>
      %get3A_154 = arith.index_cast %scan3A_82 : i32 to index
      %get3A_155 = arith.constant 272 : index
      %get3A_156 = tpu.vector_load %arg8[%get3A_154, %get3A_155] {strides = array<i32>} : memref<128x512xf32, #tpu.memory_space<vmem>>, vector<1x16xf32>,
      %get3A_157 = vector.shape_cast %get3A_156 : vector<1x16xf32> to vector<16xf32>
      %get3A_158 = arith.index_cast %scan3A_82 : i32 to index
      %get3A_159 = arith.constant 288 : index
      %get3A_160 = tpu.vector_load %arg8[%get3A_158, %get3A_159] {strides = array<i32>} : memref<128x512xf32, #tpu.memory_space<vmem>>, vector<1x16xf32>,
      %get3A_161 = vector.shape_cast %get3A_160 : vector<1x16xf32> to vector<16xf32>
      %get3A_162 = arith.index_cast %scan3A_82 : i32 to index
      %get3A_163 = arith.constant 304 : index
      %get3A_164 = tpu.vector_load %arg8[%get3A_162, %get3A_163] {strides = array<i32>} : memref<128x512xf32, #tpu.memory_space<vmem>>, vector<1x16xf32>,
      %get3A_165 = vector.shape_cast %get3A_164 : vector<1x16xf32> to vector<16xf32>
      %get3A_166 = arith.index_cast %scan3A_82 : i32 to index
      %get3A_167 = arith.constant 320 : index
      %get3A_168 = tpu.vector_load %arg8[%get3A_166, %get3A_167] {strides = array<i32>} : memref<128x512xf32, #tpu.memory_space<vmem>>, vector<1x16xf32>,
      %get3A_169 = vector.shape_cast %get3A_168 : vector<1x16xf32> to vector<16xf32>
      %get3A_170 = arith.index_cast %scan3A_82 : i32 to index
      %get3A_171 = arith.constant 336 : index
      %get3A_172 = tpu.vector_load %arg8[%get3A_170, %get3A_171] {strides = array<i32>} : memref<128x512xf32, #tpu.memory_space<vmem>>, vector<1x16xf32>,
      %get3A_173 = vector.shape_cast %get3A_172 : vector<1x16xf32> to vector<16xf32>
      %get3A_174 = arith.index_cast %scan3A_82 : i32 to index
      %get3A_175 = arith.constant 352 : index
      %get3A_176 = tpu.vector_load %arg8[%get3A_174, %get3A_175] {strides = array<i32>} : memref<128x512xf32, #tpu.memory_space<vmem>>, vector<1x16xf32>,
      %get3A_177 = vector.shape_cast %get3A_176 : vector<1x16xf32> to vector<16xf32>
      %get3A_178 = arith.index_cast %scan3A_82 : i32 to index
      %get3A_179 = arith.constant 368 : index
      %get3A_180 = tpu.vector_load %arg8[%get3A_178, %get3A_179] {strides = array<i32>} : memref<128x512xf32, #tpu.memory_space<vmem>>, vector<1x16xf32>,
      %get3A_181 = vector.shape_cast %get3A_180 : vector<1x16xf32> to vector<16xf32>
      %get3A_182 = arith.index_cast %scan3A_82 : i32 to index
      %get3A_183 = arith.constant 384 : index
      %get3A_184 = tpu.vector_load %arg8[%get3A_182, %get3A_183] {strides = array<i32>} : memref<128x512xf32, #tpu.memory_space<vmem>>, vector<1x16xf32>,
      %get3A_185 = vector.shape_cast %get3A_184 : vector<1x16xf32> to vector<16xf32>
      %get3A_186 = arith.index_cast %scan3A_82 : i32 to index
      %get3A_187 = arith.constant 400 : index
      %get3A_188 = tpu.vector_load %arg8[%get3A_186, %get3A_187] {strides = array<i32>} : memref<128x512xf32, #tpu.memory_space<vmem>>, vector<1x16xf32>,
      %get3A_189 = vector.shape_cast %get3A_188 : vector<1x16xf32> to vector<16xf32>
      %get3A_190 = arith.index_cast %scan3A_82 : i32 to index
      %get3A_191 = arith.constant 416 : index
      %get3A_192 = tpu.vector_load %arg8[%get3A_190, %get3A_191] {strides = array<i32>} : memref<128x512xf32, #tpu.memory_space<vmem>>, vector<1x16xf32>,
      %get3A_193 = vector.shape_cast %get3A_192 : vector<1x16xf32> to vector<16xf32>
      %get3A_194 = arith.index_cast %scan3A_82 : i32 to index
      %get3A_195 = arith.constant 432 : index
      %get3A_196 = tpu.vector_load %arg8[%get3A_194, %get3A_195] {strides = array<i32>} : memref<128x512xf32, #tpu.memory_space<vmem>>, vector<1x16xf32>,
      %get3A_197 = vector.shape_cast %get3A_196 : vector<1x16xf32> to vector<16xf32>
      %get3A_198 = arith.index_cast %scan3A_82 : i32 to index
      %get3A_199 = arith.constant 448 : index
      %get3A_200 = tpu.vector_load %arg8[%get3A_198, %get3A_199] {strides = array<i32>} : memref<128x512xf32, #tpu.memory_space<vmem>>, vector<1x16xf32>,
      %get3A_201 = vector.shape_cast %get3A_200 : vector<1x16xf32> to vector<16xf32>
      %get3A_202 = arith.index_cast %scan3A_82 : i32 to index
      %get3A_203 = arith.constant 464 : index
      %get3A_204 = tpu.vector_load %arg8[%get3A_202, %get3A_203] {strides = array<i32>} : memref<128x512xf32, #tpu.memory_space<vmem>>, vector<1x16xf32>,
      %get3A_205 = vector.shape_cast %get3A_204 : vector<1x16xf32> to vector<16xf32>
      %get3A_206 = arith.index_cast %scan3A_82 : i32 to index
      %get3A_207 = arith.constant 480 : index
      %get3A_208 = tpu.vector_load %arg8[%get3A_206, %get3A_207] {strides = array<i32>} : memref<128x512xf32, #tpu.memory_space<vmem>>, vector<1x16xf32>,
      %get3A_209 = vector.shape_cast %get3A_208 : vector<1x16xf32> to vector<16xf32>
      %get3A_210 = arith.index_cast %scan3A_82 : i32 to index
      %get3A_211 = arith.constant 496 : index
      %get3A_212 = tpu.vector_load %arg8[%get3A_210, %get3A_211] {strides = array<i32>} : memref<128x512xf32, #tpu.memory_space<vmem>>, vector<1x16xf32>,
      %get3A_213 = vector.shape_cast %get3A_212 : vector<1x16xf32> to vector<16xf32>
      %mul3A_214 = arith.mulf %get3A_89, %get3A_89 : vector<16xf32>
      %mul3A_215 = arith.mulf %get3A_93, %get3A_93 : vector<16xf32>
      %mul3A_216 = arith.mulf %get3A_97, %get3A_97 : vector<16xf32>
      %mul3A_217 = arith.mulf %get3A_101, %get3A_101 : vector<16xf32>
      %mul3A_218 = arith.mulf %get3A_105, %get3A_105 : vector<16xf32>
      %mul3A_219 = arith.mulf %get3A_109, %get3A_109 : vector<16xf32>
      %mul3A_220 = arith.mulf %get3A_113, %get3A_113 : vector<16xf32>
      %mul3A_221 = arith.mulf %get3A_117, %get3A_117 : vector<16xf32>
      %mul3A_222 = arith.mulf %get3A_121, %get3A_121 : vector<16xf32>
      %mul3A_223 = arith.mulf %get3A_125, %get3A_125 : vector<16xf32>
      %mul3A_224 = arith.mulf %get3A_129, %get3A_129 : vector<16xf32>
      %mul3A_225 = arith.mulf %get3A_133, %get3A_133 : vector<16xf32>
      %mul3A_226 = arith.mulf %get3A_137, %get3A_137 : vector<16xf32>
      %mul3A_227 = arith.mulf %get3A_141, %get3A_141 : vector<16xf32>
      %mul3A_228 = arith.mulf %get3A_145, %get3A_145 : vector<16xf32>
      %mul3A_229 = arith.mulf %get3A_149, %get3A_149 : vector<16xf32>
      %mul3A_230 = arith.mulf %get3A_153, %get3A_153 : vector<16xf32>
      %mul3A_231 = arith.mulf %get3A_157, %get3A_157 : vector<16xf32>
      %mul3A_232 = arith.mulf %get3A_161, %get3A_161 : vector<16xf32>
      %mul3A_233 = arith.mulf %get3A_165, %get3A_165 : vector<16xf32>
      %mul3A_234 = arith.mulf %get3A_169, %get3A_169 : vector<16xf32>
      %mul3A_235 = arith.mulf %get3A_173, %get3A_173 : vector<16xf32>
      %mul3A_236 = arith.mulf %get3A_177, %get3A_177 : vector<16xf32>
      %mul3A_237 = arith.mulf %get3A_181, %get3A_181 : vector<16xf32>
      %mul3A_238 = arith.mulf %get3A_185, %get3A_185 : vector<16xf32>
      %mul3A_239 = arith.mulf %get3A_189, %get3A_189 : vector<16xf32>
      %mul3A_240 = arith.mulf %get3A_193, %get3A_193 : vector<16xf32>
      %mul3A_241 = arith.mulf %get3A_197, %get3A_197 : vector<16xf32>
      %mul3A_242 = arith.mulf %get3A_201, %get3A_201 : vector<16xf32>
      %mul3A_243 = arith.mulf %get3A_205, %get3A_205 : vector<16xf32>
      %mul3A_244 = arith.mulf %get3A_209, %get3A_209 : vector<16xf32>
      %mul3A_245 = arith.mulf %get3A_213, %get3A_213 : vector<16xf32>
      %add3A_246 = arith.addf %mul3A_214, %mul3A_215 : vector<16xf32>
      %add3A_247 = arith.addf %mul3A_216, %mul3A_217 : vector<16xf32>
      %add3A_248 = arith.addf %mul3A_218, %mul3A_219 : vector<16xf32>
      %add3A_249 = arith.addf %mul3A_220, %mul3A_221 : vector<16xf32>
      %add3A_250 = arith.addf %mul3A_222, %mul3A_223 : vector<16xf32>
      %add3A_251 = arith.addf %mul3A_224, %mul3A_225 : vector<16xf32>
      %add3A_252 = arith.addf %mul3A_226, %mul3A_227 : vector<16xf32>
      %add3A_253 = arith.addf %mul3A_228, %mul3A_229 : vector<16xf32>
      %add3A_254 = arith.addf %mul3A_230, %mul3A_231 : vector<16xf32>
      %add3A_255 = arith.addf %mul3A_232, %mul3A_233 : vector<16xf32>
      %add3A_256 = arith.addf %mul3A_234, %mul3A_235 : vector<16xf32>
      %add3A_257 = arith.addf %mul3A_236, %mul3A_237 : vector<16xf32>
      %add3A_258 = arith.addf %mul3A_238, %mul3A_239 : vector<16xf32>
      %add3A_259 = arith.addf %mul3A_240, %mul3A_241 : vector<16xf32>
      %add3A_260 = arith.addf %mul3A_242, %mul3A_243 : vector<16xf32>
      %add3A_261 = arith.addf %mul3A_244, %mul3A_245 : vector<16xf32>
      %add3A_262 = arith.addf %add3A_246, %add3A_247 : vector<16xf32>
      %add3A_263 = arith.addf %add3A_248, %add3A_249 : vector<16xf32>
      %add3A_264 = arith.addf %add3A_250, %add3A_251 : vector<16xf32>
      %add3A_265 = arith.addf %add3A_252, %add3A_253 : vector<16xf32>
      %add3A_266 = arith.addf %add3A_254, %add3A_255 : vector<16xf32>
      %add3A_267 = arith.addf %add3A_256, %add3A_257 : vector<16xf32>
      %add3A_268 = arith.addf %add3A_258, %add3A_259 : vector<16xf32>
      %add3A_269 = arith.addf %add3A_260, %add3A_261 : vector<16xf32>
      %add3A_270 = arith.addf %add3A_262, %add3A_263 : vector<16xf32>
      %add3A_271 = arith.addf %add3A_264, %add3A_265 : vector<16xf32>
      %add3A_272 = arith.addf %add3A_266, %add3A_267 : vector<16xf32>
      %add3A_273 = arith.addf %add3A_268, %add3A_269 : vector<16xf32>
      %add3A_274 = arith.addf %add3A_270, %add3A_271 : vector<16xf32>
      %add3A_275 = arith.addf %add3A_272, %add3A_273 : vector<16xf32>
      %add3A_276 = arith.addf %add3A_274, %add3A_275 : vector<16xf32>
      %swap3A = arith.index_cast %squeeze3A : i32 to index
      %swap3A_277 = arith.constant 0 : index
      %swap3A_278 = tpu.vector_load %arg10[%swap3A, %swap3A_277] {strides = array<i32>} : memref<16x512xf32, #tpu.memory_space<vmem>>, vector<1x16xf32>,
      %swap3A_279 = vector.shape_cast %swap3A_278 : vector<1x16xf32> to vector<16xf32>
      %swap3A_280 = vector.shape_cast %get3A_89 : vector<16xf32> to vector<1x16xf32>
      tpu.vector_store %arg10[%swap3A, %swap3A_277], %swap3A_280 {add = true, strides = array<i32>} : memref<16x512xf32, #tpu.memory_space<vmem>>, vector<1x16xf32>,
      %swap3A_281 = arith.index_cast %squeeze3A : i32 to index
      %swap3A_282 = arith.constant 16 : index
      %swap3A_283 = tpu.vector_load %arg10[%swap3A_281, %swap3A_282] {strides = array<i32>} : memref<16x512xf32, #tpu.memory_space<vmem>>, vector<1x16xf32>,
      %swap3A_284 = vector.shape_cast %swap3A_283 : vector<1x16xf32> to vector<16xf32>
      %swap3A_285 = vector.shape_cast %get3A_93 : vector<16xf32> to vector<1x16xf32>
      tpu.vector_store %arg10[%swap3A_281, %swap3A_282], %swap3A_285 {add = true, strides = array<i32>} : memref<16x512xf32, #tpu.memory_space<vmem>>, vector<1x16xf32>,
      %swap3A_286 = arith.index_cast %squeeze3A : i32 to index
      %swap3A_287 = arith.constant 32 : index
      %swap3A_288 = tpu.vector_load %arg10[%swap3A_286, %swap3A_287] {strides = array<i32>} : memref<16x512xf32, #tpu.memory_space<vmem>>, vector<1x16xf32>,
      %swap3A_289 = vector.shape_cast %swap3A_288 : vector<1x16xf32> to vector<16xf32>
      %swap3A_290 = vector.shape_cast %get3A_97 : vector<16xf32> to vector<1x16xf32>
      tpu.vector_store %arg10[%swap3A_286, %swap3A_287], %swap3A_290 {add = true, strides = array<i32>} : memref<16x512xf32, #tpu.memory_space<vmem>>, vector<1x16xf32>,
      %swap3A_291 = arith.index_cast %squeeze3A : i32 to index
      %swap3A_292 = arith.constant 48 : index
      %swap3A_293 = tpu.vector_load %arg10[%swap3A_291, %swap3A_292] {strides = array<i32>} : memref<16x512xf32, #tpu.memory_space<vmem>>, vector<1x16xf32>,
      %swap3A_294 = vector.shape_cast %swap3A_293 : vector<1x16xf32> to vector<16xf32>
      %swap3A_295 = vector.shape_cast %get3A_101 : vector<16xf32> to vector<1x16xf32>
      tpu.vector_store %arg10[%swap3A_291, %swap3A_292], %swap3A_295 {add = true, strides = array<i32>} : memref<16x512xf32, #tpu.memory_space<vmem>>, vector<1x16xf32>,
      %swap3A_296 = arith.index_cast %squeeze3A : i32 to index
      %swap3A_297 = arith.constant 64 : index
      %swap3A_298 = tpu.vector_load %arg10[%swap3A_296, %swap3A_297] {strides = array<i32>} : memref<16x512xf32, #tpu.memory_space<vmem>>, vector<1x16xf32>,
      %swap3A_299 = vector.shape_cast %swap3A_298 : vector<1x16xf32> to vector<16xf32>
      %swap3A_300 = vector.shape_cast %get3A_105 : vector<16xf32> to vector<1x16xf32>
      tpu.vector_store %arg10[%swap3A_296, %swap3A_297], %swap3A_300 {add = true, strides = array<i32>} : memref<16x512xf32, #tpu.memory_space<vmem>>, vector<1x16xf32>,
      %swap3A_301 = arith.index_cast %squeeze3A : i32 to index
      %swap3A_302 = arith.constant 80 : index
      %swap3A_303 = tpu.vector_load %arg10[%swap3A_301, %swap3A_302] {strides = array<i32>} : memref<16x512xf32, #tpu.memory_space<vmem>>, vector<1x16xf32>,
      %swap3A_304 = vector.shape_cast %swap3A_303 : vector<1x16xf32> to vector<16xf32>
      %swap3A_305 = vector.shape_cast %get3A_109 : vector<16xf32> to vector<1x16xf32>
      tpu.vector_store %arg10[%swap3A_301, %swap3A_302], %swap3A_305 {add = true, strides = array<i32>} : memref<16x512xf32, #tpu.memory_space<vmem>>, vector<1x16xf32>,
      %swap3A_306 = arith.index_cast %squeeze3A : i32 to index
      %swap3A_307 = arith.constant 96 : index
      %swap3A_308 = tpu.vector_load %arg10[%swap3A_306, %swap3A_307] {strides = array<i32>} : memref<16x512xf32, #tpu.memory_space<vmem>>, vector<1x16xf32>,
      %swap3A_309 = vector.shape_cast %swap3A_308 : vector<1x16xf32> to vector<16xf32>
      %swap3A_310 = vector.shape_cast %get3A_113 : vector<16xf32> to vector<1x16xf32>
      tpu.vector_store %arg10[%swap3A_306, %swap3A_307], %swap3A_310 {add = true, strides = array<i32>} : memref<16x512xf32, #tpu.memory_space<vmem>>, vector<1x16xf32>,
      %swap3A_311 = arith.index_cast %squeeze3A : i32 to index
      %swap3A_312 = arith.constant 112 : index
      %swap3A_313 = tpu.vector_load %arg10[%swap3A_311, %swap3A_312] {strides = array<i32>} : memref<16x512xf32, #tpu.memory_space<vmem>>, vector<1x16xf32>,
      %swap3A_314 = vector.shape_cast %swap3A_313 : vector<1x16xf32> to vector<16xf32>
      %swap3A_315 = vector.shape_cast %get3A_117 : vector<16xf32> to vector<1x16xf32>
      tpu.vector_store %arg10[%swap3A_311, %swap3A_312], %swap3A_315 {add = true, strides = array<i32>} : memref<16x512xf32, #tpu.memory_space<vmem>>, vector<1x16xf32>,
      %swap3A_316 = arith.index_cast %squeeze3A : i32 to index
      %swap3A_317 = arith.constant 128 : index
      %swap3A_318 = tpu.vector_load %arg10[%swap3A_316, %swap3A_317] {strides = array<i32>} : memref<16x512xf32, #tpu.memory_space<vmem>>, vector<1x16xf32>,
      %swap3A_319 = vector.shape_cast %swap3A_318 : vector<1x16xf32> to vector<16xf32>
      %swap3A_320 = vector.shape_cast %get3A_121 : vector<16xf32> to vector<1x16xf32>
      tpu.vector_store %arg10[%swap3A_316, %swap3A_317], %swap3A_320 {add = true, strides = array<i32>} : memref<16x512xf32, #tpu.memory_space<vmem>>, vector<1x16xf32>,
      %swap3A_321 = arith.index_cast %squeeze3A : i32 to index
      %swap3A_322 = arith.constant 144 : index
      %swap3A_323 = tpu.vector_load %arg10[%swap3A_321, %swap3A_322] {strides = array<i32>} : memref<16x512xf32, #tpu.memory_space<vmem>>, vector<1x16xf32>,
      %swap3A_324 = vector.shape_cast %swap3A_323 : vector<1x16xf32> to vector<16xf32>
      %swap3A_325 = vector.shape_cast %get3A_125 : vector<16xf32> to vector<1x16xf32>
      tpu.vector_store %arg10[%swap3A_321, %swap3A_322], %swap3A_325 {add = true, strides = array<i32>} : memref<16x512xf32, #tpu.memory_space<vmem>>, vector<1x16xf32>,
      %swap3A_326 = arith.index_cast %squeeze3A : i32 to index
      %swap3A_327 = arith.constant 160 : index
      %swap3A_328 = tpu.vector_load %arg10[%swap3A_326, %swap3A_327] {strides = array<i32>} : memref<16x512xf32, #tpu.memory_space<vmem>>, vector<1x16xf32>,
      %swap3A_329 = vector.shape_cast %swap3A_328 : vector<1x16xf32> to vector<16xf32>
      %swap3A_330 = vector.shape_cast %get3A_129 : vector<16xf32> to vector<1x16xf32>
      tpu.vector_store %arg10[%swap3A_326, %swap3A_327], %swap3A_330 {add = true, strides = array<i32>} : memref<16x512xf32, #tpu.memory_space<vmem>>, vector<1x16xf32>,
      %swap3A_331 = arith.index_cast %squeeze3A : i32 to index
      %swap3A_332 = arith.constant 176 : index
      %swap3A_333 = tpu.vector_load %arg10[%swap3A_331, %swap3A_332] {strides = array<i32>} : memref<16x512xf32, #tpu.memory_space<vmem>>, vector<1x16xf32>,
      %swap3A_334 = vector.shape_cast %swap3A_333 : vector<1x16xf32> to vector<16xf32>
      %swap3A_335 = vector.shape_cast %get3A_133 : vector<16xf32> to vector<1x16xf32>
      tpu.vector_store %arg10[%swap3A_331, %swap3A_332], %swap3A_335 {add = true, strides = array<i32>} : memref<16x512xf32, #tpu.memory_space<vmem>>, vector<1x16xf32>,
      %swap3A_336 = arith.index_cast %squeeze3A : i32 to index
      %swap3A_337 = arith.constant 192 : index
      %swap3A_338 = tpu.vector_load %arg10[%swap3A_336, %swap3A_337] {strides = array<i32>} : memref<16x512xf32, #tpu.memory_space<vmem>>, vector<1x16xf32>,
      %swap3A_339 = vector.shape_cast %swap3A_338 : vector<1x16xf32> to vector<16xf32>
      %swap3A_340 = vector.shape_cast %get3A_137 : vector<16xf32> to vector<1x16xf32>
      tpu.vector_store %arg10[%swap3A_336, %swap3A_337], %swap3A_340 {add = true, strides = array<i32>} : memref<16x512xf32, #tpu.memory_space<vmem>>, vector<1x16xf32>,
      %swap3A_341 = arith.index_cast %squeeze3A : i32 to index
      %swap3A_342 = arith.constant 208 : index
      %swap3A_343 = tpu.vector_load %arg10[%swap3A_341, %swap3A_342] {strides = array<i32>} : memref<16x512xf32, #tpu.memory_space<vmem>>, vector<1x16xf32>,
      %swap3A_344 = vector.shape_cast %swap3A_343 : vector<1x16xf32> to vector<16xf32>
      %swap3A_345 = vector.shape_cast %get3A_141 : vector<16xf32> to vector<1x16xf32>
      tpu.vector_store %arg10[%swap3A_341, %swap3A_342], %swap3A_345 {add = true, strides = array<i32>} : memref<16x512xf32, #tpu.memory_space<vmem>>, vector<1x16xf32>,
      %swap3A_346 = arith.index_cast %squeeze3A : i32 to index
      %swap3A_347 = arith.constant 224 : index
      %swap3A_348 = tpu.vector_load %arg10[%swap3A_346, %swap3A_347] {strides = array<i32>} : memref<16x512xf32, #tpu.memory_space<vmem>>, vector<1x16xf32>,
      %swap3A_349 = vector.shape_cast %swap3A_348 : vector<1x16xf32> to vector<16xf32>
      %swap3A_350 = vector.shape_cast %get3A_145 : vector<16xf32> to vector<1x16xf32>
      tpu.vector_store %arg10[%swap3A_346, %swap3A_347], %swap3A_350 {add = true, strides = array<i32>} : memref<16x512xf32, #tpu.memory_space<vmem>>, vector<1x16xf32>,
      %swap3A_351 = arith.index_cast %squeeze3A : i32 to index
      %swap3A_352 = arith.constant 240 : index
      %swap3A_353 = tpu.vector_load %arg10[%swap3A_351, %swap3A_352] {strides = array<i32>} : memref<16x512xf32, #tpu.memory_space<vmem>>, vector<1x16xf32>,
      %swap3A_354 = vector.shape_cast %swap3A_353 : vector<1x16xf32> to vector<16xf32>
      %swap3A_355 = vector.shape_cast %get3A_149 : vector<16xf32> to vector<1x16xf32>
      tpu.vector_store %arg10[%swap3A_351, %swap3A_352], %swap3A_355 {add = true, strides = array<i32>} : memref<16x512xf32, #tpu.memory_space<vmem>>, vector<1x16xf32>,
      %swap3A_356 = arith.index_cast %squeeze3A : i32 to index
      %swap3A_357 = arith.constant 256 : index
      %swap3A_358 = tpu.vector_load %arg10[%swap3A_356, %swap3A_357] {strides = array<i32>} : memref<16x512xf32, #tpu.memory_space<vmem>>, vector<1x16xf32>,
      %swap3A_359 = vector.shape_cast %swap3A_358 : vector<1x16xf32> to vector<16xf32>
      %swap3A_360 = vector.shape_cast %get3A_153 : vector<16xf32> to vector<1x16xf32>
      tpu.vector_store %arg10[%swap3A_356, %swap3A_357], %swap3A_360 {add = true, strides = array<i32>} : memref<16x512xf32, #tpu.memory_space<vmem>>, vector<1x16xf32>,
      %swap3A_361 = arith.index_cast %squeeze3A : i32 to index
      %swap3A_362 = arith.constant 272 : index
      %swap3A_363 = tpu.vector_load %arg10[%swap3A_361, %swap3A_362] {strides = array<i32>} : memref<16x512xf32, #tpu.memory_space<vmem>>, vector<1x16xf32>,
      %swap3A_364 = vector.shape_cast %swap3A_363 : vector<1x16xf32> to vector<16xf32>
      %swap3A_365 = vector.shape_cast %get3A_157 : vector<16xf32> to vector<1x16xf32>
      tpu.vector_store %arg10[%swap3A_361, %swap3A_362], %swap3A_365 {add = true, strides = array<i32>} : memref<16x512xf32, #tpu.memory_space<vmem>>, vector<1x16xf32>,
      %swap3A_366 = arith.index_cast %squeeze3A : i32 to index
      %swap3A_367 = arith.constant 288 : index
      %swap3A_368 = tpu.vector_load %arg10[%swap3A_366, %swap3A_367] {strides = array<i32>} : memref<16x512xf32, #tpu.memory_space<vmem>>, vector<1x16xf32>,
      %swap3A_369 = vector.shape_cast %swap3A_368 : vector<1x16xf32> to vector<16xf32>
      %swap3A_370 = vector.shape_cast %get3A_161 : vector<16xf32> to vector<1x16xf32>
      tpu.vector_store %arg10[%swap3A_366, %swap3A_367], %swap3A_370 {add = true, strides = array<i32>} : memref<16x512xf32, #tpu.memory_space<vmem>>, vector<1x16xf32>,
      %swap3A_371 = arith.index_cast %squeeze3A : i32 to index
      %swap3A_372 = arith.constant 304 : index
      %swap3A_373 = tpu.vector_load %arg10[%swap3A_371, %swap3A_372] {strides = array<i32>} : memref<16x512xf32, #tpu.memory_space<vmem>>, vector<1x16xf32>,
      %swap3A_374 = vector.shape_cast %swap3A_373 : vector<1x16xf32> to vector<16xf32>
      %swap3A_375 = vector.shape_cast %get3A_165 : vector<16xf32> to vector<1x16xf32>
      tpu.vector_store %arg10[%swap3A_371, %swap3A_372], %swap3A_375 {add = true, strides = array<i32>} : memref<16x512xf32, #tpu.memory_space<vmem>>, vector<1x16xf32>,
      %swap3A_376 = arith.index_cast %squeeze3A : i32 to index
      %swap3A_377 = arith.constant 320 : index
      %swap3A_378 = tpu.vector_load %arg10[%swap3A_376, %swap3A_377] {strides = array<i32>} : memref<16x512xf32, #tpu.memory_space<vmem>>, vector<1x16xf32>,
      %swap3A_379 = vector.shape_cast %swap3A_378 : vector<1x16xf32> to vector<16xf32>
      %swap3A_380 = vector.shape_cast %get3A_169 : vector<16xf32> to vector<1x16xf32>
      tpu.vector_store %arg10[%swap3A_376, %swap3A_377], %swap3A_380 {add = true, strides = array<i32>} : memref<16x512xf32, #tpu.memory_space<vmem>>, vector<1x16xf32>,
      %swap3A_381 = arith.index_cast %squeeze3A : i32 to index
      %swap3A_382 = arith.constant 336 : index
      %swap3A_383 = tpu.vector_load %arg10[%swap3A_381, %swap3A_382] {strides = array<i32>} : memref<16x512xf32, #tpu.memory_space<vmem>>, vector<1x16xf32>,
      %swap3A_384 = vector.shape_cast %swap3A_383 : vector<1x16xf32> to vector<16xf32>
      %swap3A_385 = vector.shape_cast %get3A_173 : vector<16xf32> to vector<1x16xf32>
      tpu.vector_store %arg10[%swap3A_381, %swap3A_382], %swap3A_385 {add = true, strides = array<i32>} : memref<16x512xf32, #tpu.memory_space<vmem>>, vector<1x16xf32>,
      %swap3A_386 = arith.index_cast %squeeze3A : i32 to index
      %swap3A_387 = arith.constant 352 : index
      %swap3A_388 = tpu.vector_load %arg10[%swap3A_386, %swap3A_387] {strides = array<i32>} : memref<16x512xf32, #tpu.memory_space<vmem>>, vector<1x16xf32>,
      %swap3A_389 = vector.shape_cast %swap3A_388 : vector<1x16xf32> to vector<16xf32>
      %swap3A_390 = vector.shape_cast %get3A_177 : vector<16xf32> to vector<1x16xf32>
      tpu.vector_store %arg10[%swap3A_386, %swap3A_387], %swap3A_390 {add = true, strides = array<i32>} : memref<16x512xf32, #tpu.memory_space<vmem>>, vector<1x16xf32>,
      %swap3A_391 = arith.index_cast %squeeze3A : i32 to index
      %swap3A_392 = arith.constant 368 : index
      %swap3A_393 = tpu.vector_load %arg10[%swap3A_391, %swap3A_392] {strides = array<i32>} : memref<16x512xf32, #tpu.memory_space<vmem>>, vector<1x16xf32>,
      %swap3A_394 = vector.shape_cast %swap3A_393 : vector<1x16xf32> to vector<16xf32>
      %swap3A_395 = vector.shape_cast %get3A_181 : vector<16xf32> to vector<1x16xf32>
      tpu.vector_store %arg10[%swap3A_391, %swap3A_392], %swap3A_395 {add = true, strides = array<i32>} : memref<16x512xf32, #tpu.memory_space<vmem>>, vector<1x16xf32>,
      %swap3A_396 = arith.index_cast %squeeze3A : i32 to index
      %swap3A_397 = arith.constant 384 : index
      %swap3A_398 = tpu.vector_load %arg10[%swap3A_396, %swap3A_397] {strides = array<i32>} : memref<16x512xf32, #tpu.memory_space<vmem>>, vector<1x16xf32>,
      %swap3A_399 = vector.shape_cast %swap3A_398 : vector<1x16xf32> to vector<16xf32>
      %swap3A_400 = vector.shape_cast %get3A_185 : vector<16xf32> to vector<1x16xf32>
      tpu.vector_store %arg10[%swap3A_396, %swap3A_397], %swap3A_400 {add = true, strides = array<i32>} : memref<16x512xf32, #tpu.memory_space<vmem>>, vector<1x16xf32>,
      %swap3A_401 = arith.index_cast %squeeze3A : i32 to index
      %swap3A_402 = arith.constant 400 : index
      %swap3A_403 = tpu.vector_load %arg10[%swap3A_401, %swap3A_402] {strides = array<i32>} : memref<16x512xf32, #tpu.memory_space<vmem>>, vector<1x16xf32>,
      %swap3A_404 = vector.shape_cast %swap3A_403 : vector<1x16xf32> to vector<16xf32>
      %swap3A_405 = vector.shape_cast %get3A_189 : vector<16xf32> to vector<1x16xf32>
      tpu.vector_store %arg10[%swap3A_401, %swap3A_402], %swap3A_405 {add = true, strides = array<i32>} : memref<16x512xf32, #tpu.memory_space<vmem>>, vector<1x16xf32>,
      %swap3A_406 = arith.index_cast %squeeze3A : i32 to index
      %swap3A_407 = arith.constant 416 : index
      %swap3A_408 = tpu.vector_load %arg10[%swap3A_406, %swap3A_407] {strides = array<i32>} : memref<16x512xf32, #tpu.memory_space<vmem>>, vector<1x16xf32>,
      %swap3A_409 = vector.shape_cast %swap3A_408 : vector<1x16xf32> to vector<16xf32>
      %swap3A_410 = vector.shape_cast %get3A_193 : vector<16xf32> to vector<1x16xf32>
      tpu.vector_store %arg10[%swap3A_406, %swap3A_407], %swap3A_410 {add = true, strides = array<i32>} : memref<16x512xf32, #tpu.memory_space<vmem>>, vector<1x16xf32>,
      %swap3A_411 = arith.index_cast %squeeze3A : i32 to index
      %swap3A_412 = arith.constant 432 : index
      %swap3A_413 = tpu.vector_load %arg10[%swap3A_411, %swap3A_412] {strides = array<i32>} : memref<16x512xf32, #tpu.memory_space<vmem>>, vector<1x16xf32>,
      %swap3A_414 = vector.shape_cast %swap3A_413 : vector<1x16xf32> to vector<16xf32>
      %swap3A_415 = vector.shape_cast %get3A_197 : vector<16xf32> to vector<1x16xf32>
      tpu.vector_store %arg10[%swap3A_411, %swap3A_412], %swap3A_415 {add = true, strides = array<i32>} : memref<16x512xf32, #tpu.memory_space<vmem>>, vector<1x16xf32>,
      %swap3A_416 = arith.index_cast %squeeze3A : i32 to index
      %swap3A_417 = arith.constant 448 : index
      %swap3A_418 = tpu.vector_load %arg10[%swap3A_416, %swap3A_417] {strides = array<i32>} : memref<16x512xf32, #tpu.memory_space<vmem>>, vector<1x16xf32>,
      %swap3A_419 = vector.shape_cast %swap3A_418 : vector<1x16xf32> to vector<16xf32>
      %swap3A_420 = vector.shape_cast %get3A_201 : vector<16xf32> to vector<1x16xf32>
      tpu.vector_store %arg10[%swap3A_416, %swap3A_417], %swap3A_420 {add = true, strides = array<i32>} : memref<16x512xf32, #tpu.memory_space<vmem>>, vector<1x16xf32>,
      %swap3A_421 = arith.index_cast %squeeze3A : i32 to index
      %swap3A_422 = arith.constant 464 : index
      %swap3A_423 = tpu.vector_load %arg10[%swap3A_421, %swap3A_422] {strides = array<i32>} : memref<16x512xf32, #tpu.memory_space<vmem>>, vector<1x16xf32>,
      %swap3A_424 = vector.shape_cast %swap3A_423 : vector<1x16xf32> to vector<16xf32>
      %swap3A_425 = vector.shape_cast %get3A_205 : vector<16xf32> to vector<1x16xf32>
      tpu.vector_store %arg10[%swap3A_421, %swap3A_422], %swap3A_425 {add = true, strides = array<i32>} : memref<16x512xf32, #tpu.memory_space<vmem>>, vector<1x16xf32>,
      %swap3A_426 = arith.index_cast %squeeze3A : i32 to index
      %swap3A_427 = arith.constant 480 : index
      %swap3A_428 = tpu.vector_load %arg10[%swap3A_426, %swap3A_427] {strides = array<i32>} : memref<16x512xf32, #tpu.memory_space<vmem>>, vector<1x16xf32>,
      %swap3A_429 = vector.shape_cast %swap3A_428 : vector<1x16xf32> to vector<16xf32>
      %swap3A_430 = vector.shape_cast %get3A_209 : vector<16xf32> to vector<1x16xf32>
      tpu.vector_store %arg10[%swap3A_426, %swap3A_427], %swap3A_430 {add = true, strides = array<i32>} : memref<16x512xf32, #tpu.memory_space<vmem>>, vector<1x16xf32>,
      %swap3A_431 = arith.index_cast %squeeze3A : i32 to index
      %swap3A_432 = arith.constant 496 : index
      %swap3A_433 = tpu.vector_load %arg10[%swap3A_431, %swap3A_432] {strides = array<i32>} : memref<16x512xf32, #tpu.memory_space<vmem>>, vector<1x16xf32>,
      %swap3A_434 = vector.shape_cast %swap3A_433 : vector<1x16xf32> to vector<16xf32>
      %swap3A_435 = vector.shape_cast %get3A_213 : vector<16xf32> to vector<1x16xf32>
      tpu.vector_store %arg10[%swap3A_431, %swap3A_432], %swap3A_435 {add = true, strides = array<i32>} : memref<16x512xf32, #tpu.memory_space<vmem>>, vector<1x16xf32>,
      %swap3A_436 = arith.index_cast %squeeze3A : i32 to index
      %swap3A_437 = arith.constant 0 : index
      %swap3A_438 = tpu.vector_load %arg11[%swap3A_436, %swap3A_437] {strides = array<i32>} : memref<16x16xf32, #tpu.memory_space<vmem>>, vector<1x16xf32>,
      %swap3A_439 = vector.shape_cast %swap3A_438 : vector<1x16xf32> to vector<16xf32>
      %swap3A_440 = vector.shape_cast %add3A_276 : vector<16xf32> to vector<1x16xf32>
      tpu.vector_store %arg11[%swap3A_436, %swap3A_437], %swap3A_440 {add = true, strides = array<i32>} : memref<16x16xf32, #tpu.memory_space<vmem>>, vector<1x16xf32>,
      %swap3A_441 = arith.index_cast %squeeze3A : i32 to index
      %swap3A_442 = arith.constant 0 : index
      %swap3A_443 = tpu.vector_load %arg12[%swap3A_441, %swap3A_442] {strides = array<i32>} : memref<16x16xf32, #tpu.memory_space<vmem>>, vector<1x16xf32>,
      %swap3A_444 = vector.shape_cast %swap3A_443 : vector<1x16xf32> to vector<16xf32>
      %swap3A_445 = vector.shape_cast %broadcast_in_dim3A_51 : vector<16xf32> to vector<1x16xf32>
      tpu.vector_store %arg12[%swap3A_441, %swap3A_442], %swap3A_445 {add = true, strides = array<i32>} : memref<16x16xf32, #tpu.memory_space<vmem>>, vector<1x16xf32>,
      %scan3A_446 = arith.constant 0 : i32
      scf.yield %scan3A_446 : i32
    }
    %scan3A_66 = arith.constant 64 : i32
    %dma_wait3A_67 = arith.constant 64 : i32
    %dma_wait3A_68 = arith.constant 0 : i32
    %dma_wait3A_69 = tpu.memref_slice %arg8[%dma_wait3A_67, %dma_wait3A_68] : memref<128x512xf32, #tpu.memory_space<vmem>> -> memref<64x512xf32, #tpu.memory_space<vmem>>
    %dma_wait3A_70 = arith.constant 64 : i32
    %dma_wait3A_71 = tpu.memref_slice %arg7[%dma_wait3A_70] : memref<128xi32, #tpu.memory_space<vmem>> -> memref<64xi32, #tpu.memory_space<vmem>>
    %dma_wait3A_72 = arith.constant 0 : i32
    %dma_wait3A_73 = arith.constant 0 : i32
    %dma_wait3A_74 = tpu.memref_slice %arg2[%dma_wait3A_72, %dma_wait3A_73] : memref<4096x512xf32, #tpu.memory_space<hbm>> -> memref<4096x512xf32, #tpu.memory_space<hbm>>
    tpu.wait_indirect_dma semaphore(%arg15 : memref<!tpu.dma_semaphore, #tpu.memory_space<semaphore_mem>>) src(%dma_wait3A_74 : memref<4096x512xf32, #tpu.memory_space<hbm>>) dst(%dma_wait3A_69 : memref<64x512xf32, #tpu.memory_space<vmem>>)
    %scan3A_75 = arith.constant 0 : i32
    %scan3A_76 = arith.constant 64 : i32
    %scan3A_77 = arith.constant 64 : i32
    %scan3A_78 = arith.addi %scan3A_76, %scan3A_77 : i32
    %scan3A_79 = arith.constant 1 : i32
    %scan3A_80 = scf.for %scan3A_82 = %scan3A_76 to %scan3A_78 step %scan3A_79 iter_args(%scan3A_83 = %scan3A_75) -> (i32)  : i32 {
      %get3A = arith.index_cast %scan3A_82 : i32 to index
      %get3A_84 = tpu.vector_load %arg9[%get3A] {strides = array<i32>} : memref<144xi32, #tpu.memory_space<vmem>>, vector<16xi32>,
      %get3A_85 = vector.shape_cast %get3A_84 : vector<16xi32> to vector<16xi32>
      %slice3A = vector.extract_strided_slice %get3A_85 {offsets = [0], sizes = [1], strides = [1]} : vector<16xi32> to vector<1xi32>
      %squeeze3A = vector.extract %slice3A[0] : i32 from vector<1xi32>
      %get3A_86 = arith.index_cast %scan3A_82 : i32 to index
      %get3A_87 = arith.constant 0 : index
      %get3A_88 = tpu.vector_load %arg8[%get3A_86, %get3A_87] {strides = array<i32>} : memref<128x512xf32, #tpu.memory_space<vmem>>, vector<1x16xf32>,
      %get3A_89 = vector.shape_cast %get3A_88 : vector<1x16xf32> to vector<16xf32>
      %get3A_90 = arith.index_cast %scan3A_82 : i32 to index
      %get3A_91 = arith.constant 16 : index
      %get3A_92 = tpu.vector_load %arg8[%get3A_90, %get3A_91] {strides = array<i32>} : memref<128x512xf32, #tpu.memory_space<vmem>>, vector<1x16xf32>,
      %get3A_93 = vector.shape_cast %get3A_92 : vector<1x16xf32> to vector<16xf32>
      %get3A_94 = arith.index_cast %scan3A_82 : i32 to index
      %get3A_95 = arith.constant 32 : index
      %get3A_96 = tpu.vector_load %arg8[%get3A_94, %get3A_95] {strides = array<i32>} : memref<128x512xf32, #tpu.memory_space<vmem>>, vector<1x16xf32>,
      %get3A_97 = vector.shape_cast %get3A_96 : vector<1x16xf32> to vector<16xf32>
      %get3A_98 = arith.index_cast %scan3A_82 : i32 to index
      %get3A_99 = arith.constant 48 : index
      %get3A_100 = tpu.vector_load %arg8[%get3A_98, %get3A_99] {strides = array<i32>} : memref<128x512xf32, #tpu.memory_space<vmem>>, vector<1x16xf32>,
      %get3A_101 = vector.shape_cast %get3A_100 : vector<1x16xf32> to vector<16xf32>
      %get3A_102 = arith.index_cast %scan3A_82 : i32 to index
      %get3A_103 = arith.constant 64 : index
      %get3A_104 = tpu.vector_load %arg8[%get3A_102, %get3A_103] {strides = array<i32>} : memref<128x512xf32, #tpu.memory_space<vmem>>, vector<1x16xf32>,
      %get3A_105 = vector.shape_cast %get3A_104 : vector<1x16xf32> to vector<16xf32>
      %get3A_106 = arith.index_cast %scan3A_82 : i32 to index
      %get3A_107 = arith.constant 80 : index
      %get3A_108 = tpu.vector_load %arg8[%get3A_106, %get3A_107] {strides = array<i32>} : memref<128x512xf32, #tpu.memory_space<vmem>>, vector<1x16xf32>,
      %get3A_109 = vector.shape_cast %get3A_108 : vector<1x16xf32> to vector<16xf32>
      %get3A_110 = arith.index_cast %scan3A_82 : i32 to index
      %get3A_111 = arith.constant 96 : index
      %get3A_112 = tpu.vector_load %arg8[%get3A_110, %get3A_111] {strides = array<i32>} : memref<128x512xf32, #tpu.memory_space<vmem>>, vector<1x16xf32>,
      %get3A_113 = vector.shape_cast %get3A_112 : vector<1x16xf32> to vector<16xf32>
      %get3A_114 = arith.index_cast %scan3A_82 : i32 to index
      %get3A_115 = arith.constant 112 : index
      %get3A_116 = tpu.vector_load %arg8[%get3A_114, %get3A_115] {strides = array<i32>} : memref<128x512xf32, #tpu.memory_space<vmem>>, vector<1x16xf32>,
      %get3A_117 = vector.shape_cast %get3A_116 : vector<1x16xf32> to vector<16xf32>
      %get3A_118 = arith.index_cast %scan3A_82 : i32 to index
      %get3A_119 = arith.constant 128 : index
      %get3A_120 = tpu.vector_load %arg8[%get3A_118, %get3A_119] {strides = array<i32>} : memref<128x512xf32, #tpu.memory_space<vmem>>, vector<1x16xf32>,
      %get3A_121 = vector.shape_cast %get3A_120 : vector<1x16xf32> to vector<16xf32>
      %get3A_122 = arith.index_cast %scan3A_82 : i32 to index
      %get3A_123 = arith.constant 144 : index
      %get3A_124 = tpu.vector_load %arg8[%get3A_122, %get3A_123] {strides = array<i32>} : memref<128x512xf32, #tpu.memory_space<vmem>>, vector<1x16xf32>,
      %get3A_125 = vector.shape_cast %get3A_124 : vector<1x16xf32> to vector<16xf32>
      %get3A_126 = arith.index_cast %scan3A_82 : i32 to index
      %get3A_127 = arith.constant 160 : index
      %get3A_128 = tpu.vector_load %arg8[%get3A_126, %get3A_127] {strides = array<i32>} : memref<128x512xf32, #tpu.memory_space<vmem>>, vector<1x16xf32>,
      %get3A_129 = vector.shape_cast %get3A_128 : vector<1x16xf32> to vector<16xf32>
      %get3A_130 = arith.index_cast %scan3A_82 : i32 to index
      %get3A_131 = arith.constant 176 : index
      %get3A_132 = tpu.vector_load %arg8[%get3A_130, %get3A_131] {strides = array<i32>} : memref<128x512xf32, #tpu.memory_space<vmem>>, vector<1x16xf32>,
      %get3A_133 = vector.shape_cast %get3A_132 : vector<1x16xf32> to vector<16xf32>
      %get3A_134 = arith.index_cast %scan3A_82 : i32 to index
      %get3A_135 = arith.constant 192 : index
      %get3A_136 = tpu.vector_load %arg8[%get3A_134, %get3A_135] {strides = array<i32>} : memref<128x512xf32, #tpu.memory_space<vmem>>, vector<1x16xf32>,
      %get3A_137 = vector.shape_cast %get3A_136 : vector<1x16xf32> to vector<16xf32>
      %get3A_138 = arith.index_cast %scan3A_82 : i32 to index
      %get3A_139 = arith.constant 208 : index
      %get3A_140 = tpu.vector_load %arg8[%get3A_138, %get3A_139] {strides = array<i32>} : memref<128x512xf32, #tpu.memory_space<vmem>>, vector<1x16xf32>,
      %get3A_141 = vector.shape_cast %get3A_140 : vector<1x16xf32> to vector<16xf32>
      %get3A_142 = arith.index_cast %scan3A_82 : i32 to index
      %get3A_143 = arith.constant 224 : index
      %get3A_144 = tpu.vector_load %arg8[%get3A_142, %get3A_143] {strides = array<i32>} : memref<128x512xf32, #tpu.memory_space<vmem>>, vector<1x16xf32>,
      %get3A_145 = vector.shape_cast %get3A_144 : vector<1x16xf32> to vector<16xf32>
      %get3A_146 = arith.index_cast %scan3A_82 : i32 to index
      %get3A_147 = arith.constant 240 : index
      %get3A_148 = tpu.vector_load %arg8[%get3A_146, %get3A_147] {strides = array<i32>} : memref<128x512xf32, #tpu.memory_space<vmem>>, vector<1x16xf32>,
      %get3A_149 = vector.shape_cast %get3A_148 : vector<1x16xf32> to vector<16xf32>
      %get3A_150 = arith.index_cast %scan3A_82 : i32 to index
      %get3A_151 = arith.constant 256 : index
      %get3A_152 = tpu.vector_load %arg8[%get3A_150, %get3A_151] {strides = array<i32>} : memref<128x512xf32, #tpu.memory_space<vmem>>, vector<1x16xf32>,
      %get3A_153 = vector.shape_cast %get3A_152 : vector<1x16xf32> to vector<16xf32>
      %get3A_154 = arith.index_cast %scan3A_82 : i32 to index
      %get3A_155 = arith.constant 272 : index
      %get3A_156 = tpu.vector_load %arg8[%get3A_154, %get3A_155] {strides = array<i32>} : memref<128x512xf32, #tpu.memory_space<vmem>>, vector<1x16xf32>,
      %get3A_157 = vector.shape_cast %get3A_156 : vector<1x16xf32> to vector<16xf32>
      %get3A_158 = arith.index_cast %scan3A_82 : i32 to index
      %get3A_159 = arith.constant 288 : index
      %get3A_160 = tpu.vector_load %arg8[%get3A_158, %get3A_159] {strides = array<i32>} : memref<128x512xf32, #tpu.memory_space<vmem>>, vector<1x16xf32>,
      %get3A_161 = vector.shape_cast %get3A_160 : vector<1x16xf32> to vector<16xf32>
      %get3A_162 = arith.index_cast %scan3A_82 : i32 to index
      %get3A_163 = arith.constant 304 : index
      %get3A_164 = tpu.vector_load %arg8[%get3A_162, %get3A_163] {strides = array<i32>} : memref<128x512xf32, #tpu.memory_space<vmem>>, vector<1x16xf32>,
      %get3A_165 = vector.shape_cast %get3A_164 : vector<1x16xf32> to vector<16xf32>
      %get3A_166 = arith.index_cast %scan3A_82 : i32 to index
      %get3A_167 = arith.constant 320 : index
      %get3A_168 = tpu.vector_load %arg8[%get3A_166, %get3A_167] {strides = array<i32>} : memref<128x512xf32, #tpu.memory_space<vmem>>, vector<1x16xf32>,
      %get3A_169 = vector.shape_cast %get3A_168 : vector<1x16xf32> to vector<16xf32>
      %get3A_170 = arith.index_cast %scan3A_82 : i32 to index
      %get3A_171 = arith.constant 336 : index
      %get3A_172 = tpu.vector_load %arg8[%get3A_170, %get3A_171] {strides = array<i32>} : memref<128x512xf32, #tpu.memory_space<vmem>>, vector<1x16xf32>,
      %get3A_173 = vector.shape_cast %get3A_172 : vector<1x16xf32> to vector<16xf32>
      %get3A_174 = arith.index_cast %scan3A_82 : i32 to index
      %get3A_175 = arith.constant 352 : index
      %get3A_176 = tpu.vector_load %arg8[%get3A_174, %get3A_175] {strides = array<i32>} : memref<128x512xf32, #tpu.memory_space<vmem>>, vector<1x16xf32>,
      %get3A_177 = vector.shape_cast %get3A_176 : vector<1x16xf32> to vector<16xf32>
      %get3A_178 = arith.index_cast %scan3A_82 : i32 to index
      %get3A_179 = arith.constant 368 : index
      %get3A_180 = tpu.vector_load %arg8[%get3A_178, %get3A_179] {strides = array<i32>} : memref<128x512xf32, #tpu.memory_space<vmem>>, vector<1x16xf32>,
      %get3A_181 = vector.shape_cast %get3A_180 : vector<1x16xf32> to vector<16xf32>
      %get3A_182 = arith.index_cast %scan3A_82 : i32 to index
      %get3A_183 = arith.constant 384 : index
      %get3A_184 = tpu.vector_load %arg8[%get3A_182, %get3A_183] {strides = array<i32>} : memref<128x512xf32, #tpu.memory_space<vmem>>, vector<1x16xf32>,
      %get3A_185 = vector.shape_cast %get3A_184 : vector<1x16xf32> to vector<16xf32>
      %get3A_186 = arith.index_cast %scan3A_82 : i32 to index
      %get3A_187 = arith.constant 400 : index
      %get3A_188 = tpu.vector_load %arg8[%get3A_186, %get3A_187] {strides = array<i32>} : memref<128x512xf32, #tpu.memory_space<vmem>>, vector<1x16xf32>,
      %get3A_189 = vector.shape_cast %get3A_188 : vector<1x16xf32> to vector<16xf32>
      %get3A_190 = arith.index_cast %scan3A_82 : i32 to index
      %get3A_191 = arith.constant 416 : index
      %get3A_192 = tpu.vector_load %arg8[%get3A_190, %get3A_191] {strides = array<i32>} : memref<128x512xf32, #tpu.memory_space<vmem>>, vector<1x16xf32>,
      %get3A_193 = vector.shape_cast %get3A_192 : vector<1x16xf32> to vector<16xf32>
      %get3A_194 = arith.index_cast %scan3A_82 : i32 to index
      %get3A_195 = arith.constant 432 : index
      %get3A_196 = tpu.vector_load %arg8[%get3A_194, %get3A_195] {strides = array<i32>} : memref<128x512xf32, #tpu.memory_space<vmem>>, vector<1x16xf32>,
      %get3A_197 = vector.shape_cast %get3A_196 : vector<1x16xf32> to vector<16xf32>
      %get3A_198 = arith.index_cast %scan3A_82 : i32 to index
      %get3A_199 = arith.constant 448 : index
      %get3A_200 = tpu.vector_load %arg8[%get3A_198, %get3A_199] {strides = array<i32>} : memref<128x512xf32, #tpu.memory_space<vmem>>, vector<1x16xf32>,
      %get3A_201 = vector.shape_cast %get3A_200 : vector<1x16xf32> to vector<16xf32>
      %get3A_202 = arith.index_cast %scan3A_82 : i32 to index
      %get3A_203 = arith.constant 464 : index
      %get3A_204 = tpu.vector_load %arg8[%get3A_202, %get3A_203] {strides = array<i32>} : memref<128x512xf32, #tpu.memory_space<vmem>>, vector<1x16xf32>,
      %get3A_205 = vector.shape_cast %get3A_204 : vector<1x16xf32> to vector<16xf32>
      %get3A_206 = arith.index_cast %scan3A_82 : i32 to index
      %get3A_207 = arith.constant 480 : index
      %get3A_208 = tpu.vector_load %arg8[%get3A_206, %get3A_207] {strides = array<i32>} : memref<128x512xf32, #tpu.memory_space<vmem>>, vector<1x16xf32>,
      %get3A_209 = vector.shape_cast %get3A_208 : vector<1x16xf32> to vector<16xf32>
      %get3A_210 = arith.index_cast %scan3A_82 : i32 to index
      %get3A_211 = arith.constant 496 : index
      %get3A_212 = tpu.vector_load %arg8[%get3A_210, %get3A_211] {strides = array<i32>} : memref<128x512xf32, #tpu.memory_space<vmem>>, vector<1x16xf32>,
      %get3A_213 = vector.shape_cast %get3A_212 : vector<1x16xf32> to vector<16xf32>
      %mul3A_214 = arith.mulf %get3A_89, %get3A_89 : vector<16xf32>
      %mul3A_215 = arith.mulf %get3A_93, %get3A_93 : vector<16xf32>
      %mul3A_216 = arith.mulf %get3A_97, %get3A_97 : vector<16xf32>
      %mul3A_217 = arith.mulf %get3A_101, %get3A_101 : vector<16xf32>
      %mul3A_218 = arith.mulf %get3A_105, %get3A_105 : vector<16xf32>
      %mul3A_219 = arith.mulf %get3A_109, %get3A_109 : vector<16xf32>
      %mul3A_220 = arith.mulf %get3A_113, %get3A_113 : vector<16xf32>
      %mul3A_221 = arith.mulf %get3A_117, %get3A_117 : vector<16xf32>
      %mul3A_222 = arith.mulf %get3A_121, %get3A_121 : vector<16xf32>
      %mul3A_223 = arith.mulf %get3A_125, %get3A_125 : vector<16xf32>
      %mul3A_224 = arith.mulf %get3A_129, %get3A_129 : vector<16xf32>
      %mul3A_225 = arith.mulf %get3A_133, %get3A_133 : vector<16xf32>
      %mul3A_226 = arith.mulf %get3A_137, %get3A_137 : vector<16xf32>
      %mul3A_227 = arith.mulf %get3A_141, %get3A_141 : vector<16xf32>
      %mul3A_228 = arith.mulf %get3A_145, %get3A_145 : vector<16xf32>
      %mul3A_229 = arith.mulf %get3A_149, %get3A_149 : vector<16xf32>
      %mul3A_230 = arith.mulf %get3A_153, %get3A_153 : vector<16xf32>
      %mul3A_231 = arith.mulf %get3A_157, %get3A_157 : vector<16xf32>
      %mul3A_232 = arith.mulf %get3A_161, %get3A_161 : vector<16xf32>
      %mul3A_233 = arith.mulf %get3A_165, %get3A_165 : vector<16xf32>
      %mul3A_234 = arith.mulf %get3A_169, %get3A_169 : vector<16xf32>
      %mul3A_235 = arith.mulf %get3A_173, %get3A_173 : vector<16xf32>
      %mul3A_236 = arith.mulf %get3A_177, %get3A_177 : vector<16xf32>
      %mul3A_237 = arith.mulf %get3A_181, %get3A_181 : vector<16xf32>
      %mul3A_238 = arith.mulf %get3A_185, %get3A_185 : vector<16xf32>
      %mul3A_239 = arith.mulf %get3A_189, %get3A_189 : vector<16xf32>
      %mul3A_240 = arith.mulf %get3A_193, %get3A_193 : vector<16xf32>
      %mul3A_241 = arith.mulf %get3A_197, %get3A_197 : vector<16xf32>
      %mul3A_242 = arith.mulf %get3A_201, %get3A_201 : vector<16xf32>
      %mul3A_243 = arith.mulf %get3A_205, %get3A_205 : vector<16xf32>
      %mul3A_244 = arith.mulf %get3A_209, %get3A_209 : vector<16xf32>
      %mul3A_245 = arith.mulf %get3A_213, %get3A_213 : vector<16xf32>
      %add3A_246 = arith.addf %mul3A_214, %mul3A_215 : vector<16xf32>
      %add3A_247 = arith.addf %mul3A_216, %mul3A_217 : vector<16xf32>
      %add3A_248 = arith.addf %mul3A_218, %mul3A_219 : vector<16xf32>
      %add3A_249 = arith.addf %mul3A_220, %mul3A_221 : vector<16xf32>
      %add3A_250 = arith.addf %mul3A_222, %mul3A_223 : vector<16xf32>
      %add3A_251 = arith.addf %mul3A_224, %mul3A_225 : vector<16xf32>
      %add3A_252 = arith.addf %mul3A_226, %mul3A_227 : vector<16xf32>
      %add3A_253 = arith.addf %mul3A_228, %mul3A_229 : vector<16xf32>
      %add3A_254 = arith.addf %mul3A_230, %mul3A_231 : vector<16xf32>
      %add3A_255 = arith.addf %mul3A_232, %mul3A_233 : vector<16xf32>
      %add3A_256 = arith.addf %mul3A_234, %mul3A_235 : vector<16xf32>
      %add3A_257 = arith.addf %mul3A_236, %mul3A_237 : vector<16xf32>
      %add3A_258 = arith.addf %mul3A_238, %mul3A_239 : vector<16xf32>
      %add3A_259 = arith.addf %mul3A_240, %mul3A_241 : vector<16xf32>
      %add3A_260 = arith.addf %mul3A_242, %mul3A_243 : vector<16xf32>
      %add3A_261 = arith.addf %mul3A_244, %mul3A_245 : vector<16xf32>
      %add3A_262 = arith.addf %add3A_246, %add3A_247 : vector<16xf32>
      %add3A_263 = arith.addf %add3A_248, %add3A_249 : vector<16xf32>
      %add3A_264 = arith.addf %add3A_250, %add3A_251 : vector<16xf32>
      %add3A_265 = arith.addf %add3A_252, %add3A_253 : vector<16xf32>
      %add3A_266 = arith.addf %add3A_254, %add3A_255 : vector<16xf32>
      %add3A_267 = arith.addf %add3A_256, %add3A_257 : vector<16xf32>
      %add3A_268 = arith.addf %add3A_258, %add3A_259 : vector<16xf32>
      %add3A_269 = arith.addf %add3A_260, %add3A_261 : vector<16xf32>
      %add3A_270 = arith.addf %add3A_262, %add3A_263 : vector<16xf32>
      %add3A_271 = arith.addf %add3A_264, %add3A_265 : vector<16xf32>
      %add3A_272 = arith.addf %add3A_266, %add3A_267 : vector<16xf32>
      %add3A_273 = arith.addf %add3A_268, %add3A_269 : vector<16xf32>
      %add3A_274 = arith.addf %add3A_270, %add3A_271 : vector<16xf32>
      %add3A_275 = arith.addf %add3A_272, %add3A_273 : vector<16xf32>
      %add3A_276 = arith.addf %add3A_274, %add3A_275 : vector<16xf32>
      %swap3A = arith.index_cast %squeeze3A : i32 to index
      %swap3A_277 = arith.constant 0 : index
      %swap3A_278 = tpu.vector_load %arg10[%swap3A, %swap3A_277] {strides = array<i32>} : memref<16x512xf32, #tpu.memory_space<vmem>>, vector<1x16xf32>,
      %swap3A_279 = vector.shape_cast %swap3A_278 : vector<1x16xf32> to vector<16xf32>
      %swap3A_280 = vector.shape_cast %get3A_89 : vector<16xf32> to vector<1x16xf32>
      tpu.vector_store %arg10[%swap3A, %swap3A_277], %swap3A_280 {add = true, strides = array<i32>} : memref<16x512xf32, #tpu.memory_space<vmem>>, vector<1x16xf32>,
      %swap3A_281 = arith.index_cast %squeeze3A : i32 to index
      %swap3A_282 = arith.constant 16 : index
      %swap3A_283 = tpu.vector_load %arg10[%swap3A_281, %swap3A_282] {strides = array<i32>} : memref<16x512xf32, #tpu.memory_space<vmem>>, vector<1x16xf32>,
      %swap3A_284 = vector.shape_cast %swap3A_283 : vector<1x16xf32> to vector<16xf32>
      %swap3A_285 = vector.shape_cast %get3A_93 : vector<16xf32> to vector<1x16xf32>
      tpu.vector_store %arg10[%swap3A_281, %swap3A_282], %swap3A_285 {add = true, strides = array<i32>} : memref<16x512xf32, #tpu.memory_space<vmem>>, vector<1x16xf32>,
      %swap3A_286 = arith.index_cast %squeeze3A : i32 to index
      %swap3A_287 = arith.constant 32 : index
      %swap3A_288 = tpu.vector_load %arg10[%swap3A_286, %swap3A_287] {strides = array<i32>} : memref<16x512xf32, #tpu.memory_space<vmem>>, vector<1x16xf32>,
      %swap3A_289 = vector.shape_cast %swap3A_288 : vector<1x16xf32> to vector<16xf32>
      %swap3A_290 = vector.shape_cast %get3A_97 : vector<16xf32> to vector<1x16xf32>
      tpu.vector_store %arg10[%swap3A_286, %swap3A_287], %swap3A_290 {add = true, strides = array<i32>} : memref<16x512xf32, #tpu.memory_space<vmem>>, vector<1x16xf32>,
      %swap3A_291 = arith.index_cast %squeeze3A : i32 to index
      %swap3A_292 = arith.constant 48 : index
      %swap3A_293 = tpu.vector_load %arg10[%swap3A_291, %swap3A_292] {strides = array<i32>} : memref<16x512xf32, #tpu.memory_space<vmem>>, vector<1x16xf32>,
      %swap3A_294 = vector.shape_cast %swap3A_293 : vector<1x16xf32> to vector<16xf32>
      %swap3A_295 = vector.shape_cast %get3A_101 : vector<16xf32> to vector<1x16xf32>
      tpu.vector_store %arg10[%swap3A_291, %swap3A_292], %swap3A_295 {add = true, strides = array<i32>} : memref<16x512xf32, #tpu.memory_space<vmem>>, vector<1x16xf32>,
      %swap3A_296 = arith.index_cast %squeeze3A : i32 to index
      %swap3A_297 = arith.constant 64 : index
      %swap3A_298 = tpu.vector_load %arg10[%swap3A_296, %swap3A_297] {strides = array<i32>} : memref<16x512xf32, #tpu.memory_space<vmem>>, vector<1x16xf32>,
      %swap3A_299 = vector.shape_cast %swap3A_298 : vector<1x16xf32> to vector<16xf32>
      %swap3A_300 = vector.shape_cast %get3A_105 : vector<16xf32> to vector<1x16xf32>
      tpu.vector_store %arg10[%swap3A_296, %swap3A_297], %swap3A_300 {add = true, strides = array<i32>} : memref<16x512xf32, #tpu.memory_space<vmem>>, vector<1x16xf32>,
      %swap3A_301 = arith.index_cast %squeeze3A : i32 to index
      %swap3A_302 = arith.constant 80 : index
      %swap3A_303 = tpu.vector_load %arg10[%swap3A_301, %swap3A_302] {strides = array<i32>} : memref<16x512xf32, #tpu.memory_space<vmem>>, vector<1x16xf32>,
      %swap3A_304 = vector.shape_cast %swap3A_303 : vector<1x16xf32> to vector<16xf32>
      %swap3A_305 = vector.shape_cast %get3A_109 : vector<16xf32> to vector<1x16xf32>
      tpu.vector_store %arg10[%swap3A_301, %swap3A_302], %swap3A_305 {add = true, strides = array<i32>} : memref<16x512xf32, #tpu.memory_space<vmem>>, vector<1x16xf32>,
      %swap3A_306 = arith.index_cast %squeeze3A : i32 to index
      %swap3A_307 = arith.constant 96 : index
      %swap3A_308 = tpu.vector_load %arg10[%swap3A_306, %swap3A_307] {strides = array<i32>} : memref<16x512xf32, #tpu.memory_space<vmem>>, vector<1x16xf32>,
      %swap3A_309 = vector.shape_cast %swap3A_308 : vector<1x16xf32> to vector<16xf32>
      %swap3A_310 = vector.shape_cast %get3A_113 : vector<16xf32> to vector<1x16xf32>
      tpu.vector_store %arg10[%swap3A_306, %swap3A_307], %swap3A_310 {add = true, strides = array<i32>} : memref<16x512xf32, #tpu.memory_space<vmem>>, vector<1x16xf32>,
      %swap3A_311 = arith.index_cast %squeeze3A : i32 to index
      %swap3A_312 = arith.constant 112 : index
      %swap3A_313 = tpu.vector_load %arg10[%swap3A_311, %swap3A_312] {strides = array<i32>} : memref<16x512xf32, #tpu.memory_space<vmem>>, vector<1x16xf32>,
      %swap3A_314 = vector.shape_cast %swap3A_313 : vector<1x16xf32> to vector<16xf32>
      %swap3A_315 = vector.shape_cast %get3A_117 : vector<16xf32> to vector<1x16xf32>
      tpu.vector_store %arg10[%swap3A_311, %swap3A_312], %swap3A_315 {add = true, strides = array<i32>} : memref<16x512xf32, #tpu.memory_space<vmem>>, vector<1x16xf32>,
      %swap3A_316 = arith.index_cast %squeeze3A : i32 to index
      %swap3A_317 = arith.constant 128 : index
      %swap3A_318 = tpu.vector_load %arg10[%swap3A_316, %swap3A_317] {strides = array<i32>} : memref<16x512xf32, #tpu.memory_space<vmem>>, vector<1x16xf32>,
      %swap3A_319 = vector.shape_cast %swap3A_318 : vector<1x16xf32> to vector<16xf32>
      %swap3A_320 = vector.shape_cast %get3A_121 : vector<16xf32> to vector<1x16xf32>
      tpu.vector_store %arg10[%swap3A_316, %swap3A_317], %swap3A_320 {add = true, strides = array<i32>} : memref<16x512xf32, #tpu.memory_space<vmem>>, vector<1x16xf32>,
      %swap3A_321 = arith.index_cast %squeeze3A : i32 to index
      %swap3A_322 = arith.constant 144 : index
      %swap3A_323 = tpu.vector_load %arg10[%swap3A_321, %swap3A_322] {strides = array<i32>} : memref<16x512xf32, #tpu.memory_space<vmem>>, vector<1x16xf32>,
      %swap3A_324 = vector.shape_cast %swap3A_323 : vector<1x16xf32> to vector<16xf32>
      %swap3A_325 = vector.shape_cast %get3A_125 : vector<16xf32> to vector<1x16xf32>
      tpu.vector_store %arg10[%swap3A_321, %swap3A_322], %swap3A_325 {add = true, strides = array<i32>} : memref<16x512xf32, #tpu.memory_space<vmem>>, vector<1x16xf32>,
      %swap3A_326 = arith.index_cast %squeeze3A : i32 to index
      %swap3A_327 = arith.constant 160 : index
      %swap3A_328 = tpu.vector_load %arg10[%swap3A_326, %swap3A_327] {strides = array<i32>} : memref<16x512xf32, #tpu.memory_space<vmem>>, vector<1x16xf32>,
      %swap3A_329 = vector.shape_cast %swap3A_328 : vector<1x16xf32> to vector<16xf32>
      %swap3A_330 = vector.shape_cast %get3A_129 : vector<16xf32> to vector<1x16xf32>
      tpu.vector_store %arg10[%swap3A_326, %swap3A_327], %swap3A_330 {add = true, strides = array<i32>} : memref<16x512xf32, #tpu.memory_space<vmem>>, vector<1x16xf32>,
      %swap3A_331 = arith.index_cast %squeeze3A : i32 to index
      %swap3A_332 = arith.constant 176 : index
      %swap3A_333 = tpu.vector_load %arg10[%swap3A_331, %swap3A_332] {strides = array<i32>} : memref<16x512xf32, #tpu.memory_space<vmem>>, vector<1x16xf32>,
      %swap3A_334 = vector.shape_cast %swap3A_333 : vector<1x16xf32> to vector<16xf32>
      %swap3A_335 = vector.shape_cast %get3A_133 : vector<16xf32> to vector<1x16xf32>
      tpu.vector_store %arg10[%swap3A_331, %swap3A_332], %swap3A_335 {add = true, strides = array<i32>} : memref<16x512xf32, #tpu.memory_space<vmem>>, vector<1x16xf32>,
      %swap3A_336 = arith.index_cast %squeeze3A : i32 to index
      %swap3A_337 = arith.constant 192 : index
      %swap3A_338 = tpu.vector_load %arg10[%swap3A_336, %swap3A_337] {strides = array<i32>} : memref<16x512xf32, #tpu.memory_space<vmem>>, vector<1x16xf32>,
      %swap3A_339 = vector.shape_cast %swap3A_338 : vector<1x16xf32> to vector<16xf32>
      %swap3A_340 = vector.shape_cast %get3A_137 : vector<16xf32> to vector<1x16xf32>
      tpu.vector_store %arg10[%swap3A_336, %swap3A_337], %swap3A_340 {add = true, strides = array<i32>} : memref<16x512xf32, #tpu.memory_space<vmem>>, vector<1x16xf32>,
      %swap3A_341 = arith.index_cast %squeeze3A : i32 to index
      %swap3A_342 = arith.constant 208 : index
      %swap3A_343 = tpu.vector_load %arg10[%swap3A_341, %swap3A_342] {strides = array<i32>} : memref<16x512xf32, #tpu.memory_space<vmem>>, vector<1x16xf32>,
      %swap3A_344 = vector.shape_cast %swap3A_343 : vector<1x16xf32> to vector<16xf32>
      %swap3A_345 = vector.shape_cast %get3A_141 : vector<16xf32> to vector<1x16xf32>
      tpu.vector_store %arg10[%swap3A_341, %swap3A_342], %swap3A_345 {add = true, strides = array<i32>} : memref<16x512xf32, #tpu.memory_space<vmem>>, vector<1x16xf32>,
      %swap3A_346 = arith.index_cast %squeeze3A : i32 to index
      %swap3A_347 = arith.constant 224 : index
      %swap3A_348 = tpu.vector_load %arg10[%swap3A_346, %swap3A_347] {strides = array<i32>} : memref<16x512xf32, #tpu.memory_space<vmem>>, vector<1x16xf32>,
      %swap3A_349 = vector.shape_cast %swap3A_348 : vector<1x16xf32> to vector<16xf32>
      %swap3A_350 = vector.shape_cast %get3A_145 : vector<16xf32> to vector<1x16xf32>
      tpu.vector_store %arg10[%swap3A_346, %swap3A_347], %swap3A_350 {add = true, strides = array<i32>} : memref<16x512xf32, #tpu.memory_space<vmem>>, vector<1x16xf32>,
      %swap3A_351 = arith.index_cast %squeeze3A : i32 to index
      %swap3A_352 = arith.constant 240 : index
      %swap3A_353 = tpu.vector_load %arg10[%swap3A_351, %swap3A_352] {strides = array<i32>} : memref<16x512xf32, #tpu.memory_space<vmem>>, vector<1x16xf32>,
      %swap3A_354 = vector.shape_cast %swap3A_353 : vector<1x16xf32> to vector<16xf32>
      %swap3A_355 = vector.shape_cast %get3A_149 : vector<16xf32> to vector<1x16xf32>
      tpu.vector_store %arg10[%swap3A_351, %swap3A_352], %swap3A_355 {add = true, strides = array<i32>} : memref<16x512xf32, #tpu.memory_space<vmem>>, vector<1x16xf32>,
      %swap3A_356 = arith.index_cast %squeeze3A : i32 to index
      %swap3A_357 = arith.constant 256 : index
      %swap3A_358 = tpu.vector_load %arg10[%swap3A_356, %swap3A_357] {strides = array<i32>} : memref<16x512xf32, #tpu.memory_space<vmem>>, vector<1x16xf32>,
      %swap3A_359 = vector.shape_cast %swap3A_358 : vector<1x16xf32> to vector<16xf32>
      %swap3A_360 = vector.shape_cast %get3A_153 : vector<16xf32> to vector<1x16xf32>
      tpu.vector_store %arg10[%swap3A_356, %swap3A_357], %swap3A_360 {add = true, strides = array<i32>} : memref<16x512xf32, #tpu.memory_space<vmem>>, vector<1x16xf32>,
      %swap3A_361 = arith.index_cast %squeeze3A : i32 to index
      %swap3A_362 = arith.constant 272 : index
      %swap3A_363 = tpu.vector_load %arg10[%swap3A_361, %swap3A_362] {strides = array<i32>} : memref<16x512xf32, #tpu.memory_space<vmem>>, vector<1x16xf32>,
      %swap3A_364 = vector.shape_cast %swap3A_363 : vector<1x16xf32> to vector<16xf32>
      %swap3A_365 = vector.shape_cast %get3A_157 : vector<16xf32> to vector<1x16xf32>
      tpu.vector_store %arg10[%swap3A_361, %swap3A_362], %swap3A_365 {add = true, strides = array<i32>} : memref<16x512xf32, #tpu.memory_space<vmem>>, vector<1x16xf32>,
      %swap3A_366 = arith.index_cast %squeeze3A : i32 to index
      %swap3A_367 = arith.constant 288 : index
      %swap3A_368 = tpu.vector_load %arg10[%swap3A_366, %swap3A_367] {strides = array<i32>} : memref<16x512xf32, #tpu.memory_space<vmem>>, vector<1x16xf32>,
      %swap3A_369 = vector.shape_cast %swap3A_368 : vector<1x16xf32> to vector<16xf32>
      %swap3A_370 = vector.shape_cast %get3A_161 : vector<16xf32> to vector<1x16xf32>
      tpu.vector_store %arg10[%swap3A_366, %swap3A_367], %swap3A_370 {add = true, strides = array<i32>} : memref<16x512xf32, #tpu.memory_space<vmem>>, vector<1x16xf32>,
      %swap3A_371 = arith.index_cast %squeeze3A : i32 to index
      %swap3A_372 = arith.constant 304 : index
      %swap3A_373 = tpu.vector_load %arg10[%swap3A_371, %swap3A_372] {strides = array<i32>} : memref<16x512xf32, #tpu.memory_space<vmem>>, vector<1x16xf32>,
      %swap3A_374 = vector.shape_cast %swap3A_373 : vector<1x16xf32> to vector<16xf32>
      %swap3A_375 = vector.shape_cast %get3A_165 : vector<16xf32> to vector<1x16xf32>
      tpu.vector_store %arg10[%swap3A_371, %swap3A_372], %swap3A_375 {add = true, strides = array<i32>} : memref<16x512xf32, #tpu.memory_space<vmem>>, vector<1x16xf32>,
      %swap3A_376 = arith.index_cast %squeeze3A : i32 to index
      %swap3A_377 = arith.constant 320 : index
      %swap3A_378 = tpu.vector_load %arg10[%swap3A_376, %swap3A_377] {strides = array<i32>} : memref<16x512xf32, #tpu.memory_space<vmem>>, vector<1x16xf32>,
      %swap3A_379 = vector.shape_cast %swap3A_378 : vector<1x16xf32> to vector<16xf32>
      %swap3A_380 = vector.shape_cast %get3A_169 : vector<16xf32> to vector<1x16xf32>
      tpu.vector_store %arg10[%swap3A_376, %swap3A_377], %swap3A_380 {add = true, strides = array<i32>} : memref<16x512xf32, #tpu.memory_space<vmem>>, vector<1x16xf32>,
      %swap3A_381 = arith.index_cast %squeeze3A : i32 to index
      %swap3A_382 = arith.constant 336 : index
      %swap3A_383 = tpu.vector_load %arg10[%swap3A_381, %swap3A_382] {strides = array<i32>} : memref<16x512xf32, #tpu.memory_space<vmem>>, vector<1x16xf32>,
      %swap3A_384 = vector.shape_cast %swap3A_383 : vector<1x16xf32> to vector<16xf32>
      %swap3A_385 = vector.shape_cast %get3A_173 : vector<16xf32> to vector<1x16xf32>
      tpu.vector_store %arg10[%swap3A_381, %swap3A_382], %swap3A_385 {add = true, strides = array<i32>} : memref<16x512xf32, #tpu.memory_space<vmem>>, vector<1x16xf32>,
      %swap3A_386 = arith.index_cast %squeeze3A : i32 to index
      %swap3A_387 = arith.constant 352 : index
      %swap3A_388 = tpu.vector_load %arg10[%swap3A_386, %swap3A_387] {strides = array<i32>} : memref<16x512xf32, #tpu.memory_space<vmem>>, vector<1x16xf32>,
      %swap3A_389 = vector.shape_cast %swap3A_388 : vector<1x16xf32> to vector<16xf32>
      %swap3A_390 = vector.shape_cast %get3A_177 : vector<16xf32> to vector<1x16xf32>
      tpu.vector_store %arg10[%swap3A_386, %swap3A_387], %swap3A_390 {add = true, strides = array<i32>} : memref<16x512xf32, #tpu.memory_space<vmem>>, vector<1x16xf32>,
      %swap3A_391 = arith.index_cast %squeeze3A : i32 to index
      %swap3A_392 = arith.constant 368 : index
      %swap3A_393 = tpu.vector_load %arg10[%swap3A_391, %swap3A_392] {strides = array<i32>} : memref<16x512xf32, #tpu.memory_space<vmem>>, vector<1x16xf32>,
      %swap3A_394 = vector.shape_cast %swap3A_393 : vector<1x16xf32> to vector<16xf32>
      %swap3A_395 = vector.shape_cast %get3A_181 : vector<16xf32> to vector<1x16xf32>
      tpu.vector_store %arg10[%swap3A_391, %swap3A_392], %swap3A_395 {add = true, strides = array<i32>} : memref<16x512xf32, #tpu.memory_space<vmem>>, vector<1x16xf32>,
      %swap3A_396 = arith.index_cast %squeeze3A : i32 to index
      %swap3A_397 = arith.constant 384 : index
      %swap3A_398 = tpu.vector_load %arg10[%swap3A_396, %swap3A_397] {strides = array<i32>} : memref<16x512xf32, #tpu.memory_space<vmem>>, vector<1x16xf32>,
      %swap3A_399 = vector.shape_cast %swap3A_398 : vector<1x16xf32> to vector<16xf32>
      %swap3A_400 = vector.shape_cast %get3A_185 : vector<16xf32> to vector<1x16xf32>
      tpu.vector_store %arg10[%swap3A_396, %swap3A_397], %swap3A_400 {add = true, strides = array<i32>} : memref<16x512xf32, #tpu.memory_space<vmem>>, vector<1x16xf32>,
      %swap3A_401 = arith.index_cast %squeeze3A : i32 to index
      %swap3A_402 = arith.constant 400 : index
      %swap3A_403 = tpu.vector_load %arg10[%swap3A_401, %swap3A_402] {strides = array<i32>} : memref<16x512xf32, #tpu.memory_space<vmem>>, vector<1x16xf32>,
      %swap3A_404 = vector.shape_cast %swap3A_403 : vector<1x16xf32> to vector<16xf32>
      %swap3A_405 = vector.shape_cast %get3A_189 : vector<16xf32> to vector<1x16xf32>
      tpu.vector_store %arg10[%swap3A_401, %swap3A_402], %swap3A_405 {add = true, strides = array<i32>} : memref<16x512xf32, #tpu.memory_space<vmem>>, vector<1x16xf32>,
      %swap3A_406 = arith.index_cast %squeeze3A : i32 to index
      %swap3A_407 = arith.constant 416 : index
      %swap3A_408 = tpu.vector_load %arg10[%swap3A_406, %swap3A_407] {strides = array<i32>} : memref<16x512xf32, #tpu.memory_space<vmem>>, vector<1x16xf32>,
      %swap3A_409 = vector.shape_cast %swap3A_408 : vector<1x16xf32> to vector<16xf32>
      %swap3A_410 = vector.shape_cast %get3A_193 : vector<16xf32> to vector<1x16xf32>
      tpu.vector_store %arg10[%swap3A_406, %swap3A_407], %swap3A_410 {add = true, strides = array<i32>} : memref<16x512xf32, #tpu.memory_space<vmem>>, vector<1x16xf32>,
      %swap3A_411 = arith.index_cast %squeeze3A : i32 to index
      %swap3A_412 = arith.constant 432 : index
      %swap3A_413 = tpu.vector_load %arg10[%swap3A_411, %swap3A_412] {strides = array<i32>} : memref<16x512xf32, #tpu.memory_space<vmem>>, vector<1x16xf32>,
      %swap3A_414 = vector.shape_cast %swap3A_413 : vector<1x16xf32> to vector<16xf32>
      %swap3A_415 = vector.shape_cast %get3A_197 : vector<16xf32> to vector<1x16xf32>
      tpu.vector_store %arg10[%swap3A_411, %swap3A_412], %swap3A_415 {add = true, strides = array<i32>} : memref<16x512xf32, #tpu.memory_space<vmem>>, vector<1x16xf32>,
      %swap3A_416 = arith.index_cast %squeeze3A : i32 to index
      %swap3A_417 = arith.constant 448 : index
      %swap3A_418 = tpu.vector_load %arg10[%swap3A_416, %swap3A_417] {strides = array<i32>} : memref<16x512xf32, #tpu.memory_space<vmem>>, vector<1x16xf32>,
      %swap3A_419 = vector.shape_cast %swap3A_418 : vector<1x16xf32> to vector<16xf32>
      %swap3A_420 = vector.shape_cast %get3A_201 : vector<16xf32> to vector<1x16xf32>
      tpu.vector_store %arg10[%swap3A_416, %swap3A_417], %swap3A_420 {add = true, strides = array<i32>} : memref<16x512xf32, #tpu.memory_space<vmem>>, vector<1x16xf32>,
      %swap3A_421 = arith.index_cast %squeeze3A : i32 to index
      %swap3A_422 = arith.constant 464 : index
      %swap3A_423 = tpu.vector_load %arg10[%swap3A_421, %swap3A_422] {strides = array<i32>} : memref<16x512xf32, #tpu.memory_space<vmem>>, vector<1x16xf32>,
      %swap3A_424 = vector.shape_cast %swap3A_423 : vector<1x16xf32> to vector<16xf32>
      %swap3A_425 = vector.shape_cast %get3A_205 : vector<16xf32> to vector<1x16xf32>
      tpu.vector_store %arg10[%swap3A_421, %swap3A_422], %swap3A_425 {add = true, strides = array<i32>} : memref<16x512xf32, #tpu.memory_space<vmem>>, vector<1x16xf32>,
      %swap3A_426 = arith.index_cast %squeeze3A : i32 to index
      %swap3A_427 = arith.constant 480 : index
      %swap3A_428 = tpu.vector_load %arg10[%swap3A_426, %swap3A_427] {strides = array<i32>} : memref<16x512xf32, #tpu.memory_space<vmem>>, vector<1x16xf32>,
      %swap3A_429 = vector.shape_cast %swap3A_428 : vector<1x16xf32> to vector<16xf32>
      %swap3A_430 = vector.shape_cast %get3A_209 : vector<16xf32> to vector<1x16xf32>
      tpu.vector_store %arg10[%swap3A_426, %swap3A_427], %swap3A_430 {add = true, strides = array<i32>} : memref<16x512xf32, #tpu.memory_space<vmem>>, vector<1x16xf32>,
      %swap3A_431 = arith.index_cast %squeeze3A : i32 to index
      %swap3A_432 = arith.constant 496 : index
      %swap3A_433 = tpu.vector_load %arg10[%swap3A_431, %swap3A_432] {strides = array<i32>} : memref<16x512xf32, #tpu.memory_space<vmem>>, vector<1x16xf32>,
      %swap3A_434 = vector.shape_cast %swap3A_433 : vector<1x16xf32> to vector<16xf32>
      %swap3A_435 = vector.shape_cast %get3A_213 : vector<16xf32> to vector<1x16xf32>
      tpu.vector_store %arg10[%swap3A_431, %swap3A_432], %swap3A_435 {add = true, strides = array<i32>} : memref<16x512xf32, #tpu.memory_space<vmem>>, vector<1x16xf32>,
      %swap3A_436 = arith.index_cast %squeeze3A : i32 to index
      %swap3A_437 = arith.constant 0 : index
      %swap3A_438 = tpu.vector_load %arg11[%swap3A_436, %swap3A_437] {strides = array<i32>} : memref<16x16xf32, #tpu.memory_space<vmem>>, vector<1x16xf32>,
      %swap3A_439 = vector.shape_cast %swap3A_438 : vector<1x16xf32> to vector<16xf32>
      %swap3A_440 = vector.shape_cast %add3A_276 : vector<16xf32> to vector<1x16xf32>
      tpu.vector_store %arg11[%swap3A_436, %swap3A_437], %swap3A_440 {add = true, strides = array<i32>} : memref<16x16xf32, #tpu.memory_space<vmem>>, vector<1x16xf32>,
      %swap3A_441 = arith.index_cast %squeeze3A : i32 to index
      %swap3A_442 = arith.constant 0 : index
      %swap3A_443 = tpu.vector_load %arg12[%swap3A_441, %swap3A_442] {strides = array<i32>} : memref<16x16xf32, #tpu.memory_space<vmem>>, vector<1x16xf32>,
      %swap3A_444 = vector.shape_cast %swap3A_443 : vector<1x16xf32> to vector<16xf32>
      %swap3A_445 = vector.shape_cast %broadcast_in_dim3A_51 : vector<16xf32> to vector<1x16xf32>
      tpu.vector_store %arg12[%swap3A_441, %swap3A_442], %swap3A_445 {add = true, strides = array<i32>} : memref<16x16xf32, #tpu.memory_space<vmem>>, vector<1x16xf32>,
      %scan3A_446 = arith.constant 0 : i32
      scf.yield %scan3A_446 : i32
    }
    %scan3A_81 = arith.constant 64 : i32
    "tpu.region"() ({
      %run_scoped3A = tpu.sem_alloc : memref<!tpu.dma_semaphore, #tpu.memory_space<semaphore_mem>>
      %dma_start3A_82 = arith.constant 0 : i32
      %dma_start3A_83 = arith.constant 0 : i32
      %dma_start3A_84 = tpu.memref_slice %arg4[%add3A, %dma_start3A_82, %dma_start3A_83] : memref<32x16x512xf32, #tpu.memory_space<hbm>> -> memref<1x16x512xf32, #tpu.memory_space<hbm>>
      %dma_start3A_85 = tpu.memref_squeeze %dma_start3A_84 : memref<1x16x512xf32, #tpu.memory_space<hbm>> -> memref<16x512xf32, #tpu.memory_space<hbm>>
      %dma_start3A_86 = arith.constant 0 : i32
      %dma_start3A_87 = arith.constant 0 : i32
      %dma_start3A_88 = tpu.memref_slice %arg4[%add3A, %dma_start3A_86, %dma_start3A_87] : memref<32x16x512xf32, #tpu.memory_space<hbm>> -> memref<1x16x512xf32, #tpu.memory_space<hbm>>
      %dma_start3A_89 = tpu.memref_squeeze %dma_start3A_88 : memref<1x16x512xf32, #tpu.memory_space<hbm>> -> memref<16x512xf32, #tpu.memory_space<hbm>>
      tpu.enqueue_dma source(%arg10 : memref<16x512xf32, #tpu.memory_space<vmem>>) target(%dma_start3A_89 : memref<16x512xf32, #tpu.memory_space<hbm>>) target_semaphore(%run_scoped3A : memref<!tpu.dma_semaphore, #tpu.memory_space<semaphore_mem>>)
      %dma_wait3A_90 = arith.constant 0 : i32
      %dma_wait3A_91 = arith.constant 0 : i32
      %dma_wait3A_92 = tpu.memref_slice %arg4[%add3A, %dma_wait3A_90, %dma_wait3A_91] : memref<32x16x512xf32, #tpu.memory_space<hbm>> -> memref<1x16x512xf32, #tpu.memory_space<hbm>>
      %dma_wait3A_93 = tpu.memref_squeeze %dma_wait3A_92 : memref<1x16x512xf32, #tpu.memory_space<hbm>> -> memref<16x512xf32, #tpu.memory_space<hbm>>
      %dma_wait3A_94 = arith.constant 0 : i32
      %dma_wait3A_95 = arith.constant 0 : i32
      %dma_wait3A_96 = tpu.memref_slice %arg4[%add3A, %dma_wait3A_94, %dma_wait3A_95] : memref<32x16x512xf32, #tpu.memory_space<hbm>> -> memref<1x16x512xf32, #tpu.memory_space<hbm>>
      %dma_wait3A_97 = tpu.memref_squeeze %dma_wait3A_96 : memref<1x16x512xf32, #tpu.memory_space<hbm>> -> memref<16x512xf32, #tpu.memory_space<hbm>>
      tpu.wait_dma2 semaphore(%run_scoped3A : memref<!tpu.dma_semaphore, #tpu.memory_space<semaphore_mem>>) src(%arg10 : memref<16x512xf32, #tpu.memory_space<vmem>>) dst(%dma_wait3A_97 : memref<16x512xf32, #tpu.memory_space<hbm>>)
      tpu.yield
    }) : () -> ()
    "tpu.region"() ({
      %run_scoped3A = tpu.sem_alloc : memref<!tpu.dma_semaphore, #tpu.memory_space<semaphore_mem>>
      %dma_start3A_82 = arith.constant 0 : i32
      %dma_start3A_83 = arith.constant 0 : i32
      %dma_start3A_84 = tpu.memref_slice %arg5[%add3A, %dma_start3A_82, %dma_start3A_83] : memref<32x16x16xf32, #tpu.memory_space<hbm>> -> memref<1x16x16xf32, #tpu.memory_space<hbm>>
      %dma_start3A_85 = tpu.memref_squeeze %dma_start3A_84 : memref<1x16x16xf32, #tpu.memory_space<hbm>> -> memref<16x16xf32, #tpu.memory_space<hbm>>
      %dma_start3A_86 = arith.constant 0 : i32
      %dma_start3A_87 = arith.constant 0 : i32
      %dma_start3A_88 = tpu.memref_slice %arg5[%add3A, %dma_start3A_86, %dma_start3A_87] : memref<32x16x16xf32, #tpu.memory_space<hbm>> -> memref<1x16x16xf32, #tpu.memory_space<hbm>>
      %dma_start3A_89 = tpu.memref_squeeze %dma_start3A_88 : memref<1x16x16xf32, #tpu.memory_space<hbm>> -> memref<16x16xf32, #tpu.memory_space<hbm>>
      tpu.enqueue_dma source(%arg11 : memref<16x16xf32, #tpu.memory_space<vmem>>) target(%dma_start3A_89 : memref<16x16xf32, #tpu.memory_space<hbm>>) target_semaphore(%run_scoped3A : memref<!tpu.dma_semaphore, #tpu.memory_space<semaphore_mem>>)
      %dma_wait3A_90 = arith.constant 0 : i32
      %dma_wait3A_91 = arith.constant 0 : i32
      %dma_wait3A_92 = tpu.memref_slice %arg5[%add3A, %dma_wait3A_90, %dma_wait3A_91] : memref<32x16x16xf32, #tpu.memory_space<hbm>> -> memref<1x16x16xf32, #tpu.memory_space<hbm>>
      %dma_wait3A_93 = tpu.memref_squeeze %dma_wait3A_92 : memref<1x16x16xf32, #tpu.memory_space<hbm>> -> memref<16x16xf32, #tpu.memory_space<hbm>>
      %dma_wait3A_94 = arith.constant 0 : i32
      %dma_wait3A_95 = arith.constant 0 : i32
      %dma_wait3A_96 = tpu.memref_slice %arg5[%add3A, %dma_wait3A_94, %dma_wait3A_95] : memref<32x16x16xf32, #tpu.memory_space<hbm>> -> memref<1x16x16xf32, #tpu.memory_space<hbm>>
      %dma_wait3A_97 = tpu.memref_squeeze %dma_wait3A_96 : memref<1x16x16xf32, #tpu.memory_space<hbm>> -> memref<16x16xf32, #tpu.memory_space<hbm>>
      tpu.wait_dma2 semaphore(%run_scoped3A : memref<!tpu.dma_semaphore, #tpu.memory_space<semaphore_mem>>) src(%arg11 : memref<16x16xf32, #tpu.memory_space<vmem>>) dst(%dma_wait3A_97 : memref<16x16xf32, #tpu.memory_space<hbm>>)
      tpu.yield
    }) : () -> ()
    "tpu.region"() ({
      %run_scoped3A = tpu.sem_alloc : memref<!tpu.dma_semaphore, #tpu.memory_space<semaphore_mem>>
      %dma_start3A_82 = arith.constant 0 : i32
      %dma_start3A_83 = arith.constant 0 : i32
      %dma_start3A_84 = tpu.memref_slice %arg6[%add3A, %dma_start3A_82, %dma_start3A_83] : memref<32x16x16xf32, #tpu.memory_space<hbm>> -> memref<1x16x16xf32, #tpu.memory_space<hbm>>
      %dma_start3A_85 = tpu.memref_squeeze %dma_start3A_84 : memref<1x16x16xf32, #tpu.memory_space<hbm>> -> memref<16x16xf32, #tpu.memory_space<hbm>>
      %dma_start3A_86 = arith.constant 0 : i32
      %dma_start3A_87 = arith.constant 0 : i32
      %dma_start3A_88 = tpu.memref_slice %arg6[%add3A, %dma_start3A_86, %dma_start3A_87] : memref<32x16x16xf32, #tpu.memory_space<hbm>> -> memref<1x16x16xf32, #tpu.memory_space<hbm>>
      %dma_start3A_89 = tpu.memref_squeeze %dma_start3A_88 : memref<1x16x16xf32, #tpu.memory_space<hbm>> -> memref<16x16xf32, #tpu.memory_space<hbm>>
      tpu.enqueue_dma source(%arg12 : memref<16x16xf32, #tpu.memory_space<vmem>>) target(%dma_start3A_89 : memref<16x16xf32, #tpu.memory_space<hbm>>) target_semaphore(%run_scoped3A : memref<!tpu.dma_semaphore, #tpu.memory_space<semaphore_mem>>)
      %dma_wait3A_90 = arith.constant 0 : i32
      %dma_wait3A_91 = arith.constant 0 : i32
      %dma_wait3A_92 = tpu.memref_slice %arg6[%add3A, %dma_wait3A_90, %dma_wait3A_91] : memref<32x16x16xf32, #tpu.memory_space<hbm>> -> memref<1x16x16xf32, #tpu.memory_space<hbm>>
      %dma_wait3A_93 = tpu.memref_squeeze %dma_wait3A_92 : memref<1x16x16xf32, #tpu.memory_space<hbm>> -> memref<16x16xf32, #tpu.memory_space<hbm>>
      %dma_wait3A_94 = arith.constant 0 : i32
      %dma_wait3A_95 = arith.constant 0 : i32
      %dma_wait3A_96 = tpu.memref_slice %arg6[%add3A, %dma_wait3A_94, %dma_wait3A_95] : memref<32x16x16xf32, #tpu.memory_space<hbm>> -> memref<1x16x16xf32, #tpu.memory_space<hbm>>
      %dma_wait3A_97 = tpu.memref_squeeze %dma_wait3A_96 : memref<1x16x16xf32, #tpu.memory_space<hbm>> -> memref<16x16xf32, #tpu.memory_space<hbm>>
      tpu.wait_dma2 semaphore(%run_scoped3A : memref<!tpu.dma_semaphore, #tpu.memory_space<semaphore_mem>>) src(%arg12 : memref<16x16xf32, #tpu.memory_space<vmem>>) dst(%dma_wait3A_97 : memref<16x16xf32, #tpu.memory_space<hbm>>)
      tpu.yield
    }) : () -> ()
    return
  }
}

module attributes {stable_mosaic.version = 14 : i64} {
  func.func @_finish_body(%arg0: memref<32x16x512xf32, #tpu.memory_space<vmem>>, %arg1: memref<32x16x16xf32, #tpu.memory_space<vmem>>, %arg2: memref<32x16x16xf32, #tpu.memory_space<vmem>>, %arg3: memref<1x1xf32, #tpu.memory_space<smem>>) attributes {dimension_semantics = [], scalar_prefetch = 0 : i64, scratch_operands = 0 : i64, tpu.core_type = #tpu.core_type<tc>} {
    %get3A = arith.constant 0 : index
    %get3A_0 = arith.constant 0 : index
    %get3A_1 = arith.constant 0 : index
    %get3A_2 = vector.load %arg0[%get3A, %get3A_0, %get3A_1] : memref<32x16x512xf32, #tpu.memory_space<vmem>>, vector<32x16x512xf32>
    %reduce_sum3A = arith.constant dense<0.000000e+00> : vector<16x512xf32>
    %reduce_sum3A_3 = vector.multi_reduction <add>, %get3A_2, %reduce_sum3A [0] : vector<32x16x512xf32> to vector<16x512xf32>
    %get3A_4 = arith.constant 0 : index
    %get3A_5 = arith.constant 0 : index
    %get3A_6 = arith.constant 0 : index
    %get3A_7 = vector.load %arg1[%get3A_4, %get3A_5, %get3A_6] : memref<32x16x16xf32, #tpu.memory_space<vmem>>, vector<32x16x16xf32>
    %reduce_sum3A_8 = arith.constant dense<0.000000e+00> : vector<16x16xf32>
    %reduce_sum3A_9 = vector.multi_reduction <add>, %get3A_7, %reduce_sum3A_8 [0] : vector<32x16x16xf32> to vector<16x16xf32>
    %reduce_sum3A_10 = arith.constant dense<0.000000e+00> : vector<16xf32>
    %reduce_sum3A_11 = vector.multi_reduction <add>, %reduce_sum3A_9, %reduce_sum3A_10 [1] : vector<16x16xf32> to vector<16xf32>
    %broadcast_in_dim3A = vector.shape_cast %reduce_sum3A_11 : vector<16xf32> to vector<16x1xf32>
    %get3A_12 = arith.constant 0 : index
    %get3A_13 = arith.constant 0 : index
    %get3A_14 = arith.constant 0 : index
    %get3A_15 = vector.load %arg2[%get3A_12, %get3A_13, %get3A_14] : memref<32x16x16xf32, #tpu.memory_space<vmem>>, vector<32x16x16xf32>
    %reduce_sum3A_16 = arith.constant dense<0.000000e+00> : vector<16x16xf32>
    %reduce_sum3A_17 = vector.multi_reduction <add>, %get3A_15, %reduce_sum3A_16 [0] : vector<32x16x16xf32> to vector<16x16xf32>
    %slice3A = vector.extract_strided_slice %reduce_sum3A_17 {offsets = [0, 0], sizes = [16, 1], strides = [1, 1]} : vector<16x16xf32> to vector<16x1xf32>
    %max3A = arith.constant 1.000000e+00 : f32
    %max3A_18 = vector.broadcast %max3A : f32 to vector<16x1xf32>
    %max3A_19 = arith.maximumf %slice3A, %max3A_18 : vector<16x1xf32>
    %mul3A = arith.mulf %reduce_sum3A_3, %reduce_sum3A_3 : vector<16x512xf32>
    %reduce_sum3A_20 = arith.constant dense<0.000000e+00> : vector<16xf32>
    %reduce_sum3A_21 = vector.multi_reduction <add>, %mul3A, %reduce_sum3A_20 [1] : vector<16x512xf32> to vector<16xf32>
    %broadcast_in_dim3A_22 = vector.shape_cast %reduce_sum3A_21 : vector<16xf32> to vector<16x1xf32>
    %div3A = arith.divf %broadcast_in_dim3A_22, %max3A_19 : vector<16x1xf32>
    %sub3A = arith.subf %broadcast_in_dim3A, %div3A : vector<16x1xf32>
    %mul3A_23 = arith.constant 5.120000e+02 : f32
    %mul3A_24 = vector.broadcast %mul3A_23 : f32 to vector<16x1xf32>
    %mul3A_25 = arith.mulf %max3A_19, %mul3A_24 : vector<16x1xf32>
    %div3A_26 = arith.divf %sub3A, %mul3A_25 : vector<16x1xf32>
    %gt3A = arith.constant 1.000000e+00 : f32
    %gt3A_27 = vector.broadcast %gt3A : f32 to vector<16x1xf32>
    %gt3A_28 = arith.cmpf ogt, %slice3A, %gt3A_27 : vector<16x1xf32>
    %jit3A = arith.constant 0.000000e+00 : f32
    %broadcast_in_dim3A_29 = vector.broadcast %jit3A : f32 to vector<16x1xf32>
    %select_n3A = arith.select %gt3A_28, %div3A_26, %broadcast_in_dim3A_29 : vector<16x1xi1>, vector<16x1xf32>
    %reduce_sum3A_30 = vector.shape_cast %select_n3A : vector<16x1xf32> to vector<1x16x1xf32>
    %reduce_sum3A_31 = arith.constant dense<0.000000e+00> : vector<1xf32>
    %reduce_sum3A_32 = vector.multi_reduction <add>, %reduce_sum3A_30, %reduce_sum3A_31 [1, 2] : vector<1x16x1xf32> to vector<1xf32>
    %reduce_sum3A_33 = vector.shape_cast %reduce_sum3A_32 : vector<1xf32> to vector<1x1x1xf32>
    %reduce_sum3A_34 = vector.extract %reduce_sum3A_33[0, 0, 0] : f32 from vector<1x1x1xf32>
    %div3A_35 = vector.broadcast %max3A_19 : vector<16x1xf32> to vector<16x512xf32>
    %div3A_36 = arith.divf %reduce_sum3A_3, %div3A_35 : vector<16x512xf32>
    %mul3A_37 = arith.mulf %div3A_36, %div3A_36 : vector<16x512xf32>
    %reduce_sum3A_38 = vector.shape_cast %mul3A_37 : vector<16x512xf32> to vector<1x16x512xf32>
    %reduce_sum3A_39 = arith.constant dense<0.000000e+00> : vector<1xf32>
    %reduce_sum3A_40 = vector.multi_reduction <add>, %reduce_sum3A_38, %reduce_sum3A_39 [1, 2] : vector<1x16x512xf32> to vector<1xf32>
    %reduce_sum3A_41 = vector.shape_cast %reduce_sum3A_40 : vector<1xf32> to vector<1x1x1xf32>
    %reduce_sum3A_42 = vector.extract %reduce_sum3A_41[0, 0, 0] : f32 from vector<1x1x1xf32>
    %reduce_sum3A_43 = arith.constant dense<0.000000e+00> : vector<512xf32>
    %reduce_sum3A_44 = vector.multi_reduction <add>, %div3A_36, %reduce_sum3A_43 [0] : vector<16x512xf32> to vector<512xf32>
    %broadcast_in_dim3A_45 = vector.shape_cast %reduce_sum3A_44 : vector<512xf32> to vector<1x512xf32>
    %mul3A_46 = arith.constant 1.600000e+01 : f32
    %mul3A_47 = arith.mulf %mul3A_46, %reduce_sum3A_42 : f32
    %mul3A_48 = arith.mulf %broadcast_in_dim3A_45, %broadcast_in_dim3A_45 : vector<1x512xf32>
    %reduce_sum3A_49 = vector.shape_cast %mul3A_48 : vector<1x512xf32> to vector<1x1x512xf32>
    %reduce_sum3A_50 = arith.constant dense<0.000000e+00> : vector<1xf32>
    %reduce_sum3A_51 = vector.multi_reduction <add>, %reduce_sum3A_49, %reduce_sum3A_50 [1, 2] : vector<1x1x512xf32> to vector<1xf32>
    %reduce_sum3A_52 = vector.shape_cast %reduce_sum3A_51 : vector<1xf32> to vector<1x1x1xf32>
    %reduce_sum3A_53 = vector.extract %reduce_sum3A_52[0, 0, 0] : f32 from vector<1x1x1xf32>
    %sub3A_54 = arith.subf %mul3A_47, %reduce_sum3A_53 : f32
    %div3A_55 = arith.constant 5.120000e+02 : f32
    %div3A_56 = arith.divf %sub3A_54, %div3A_55 : f32
    %mul3A_57 = arith.constant 5.000000e-01 : f32
    %mul3A_58 = arith.mulf %mul3A_57, %reduce_sum3A_34 : f32
    %mul3A_59 = arith.constant 5.000000e-01 : f32
    %mul3A_60 = arith.mulf %mul3A_59, %div3A_56 : f32
    %add3A = arith.addf %mul3A_58, %mul3A_60 : f32
    %swap3A = arith.constant 0 : index
    %swap3A_61 = arith.constant 0 : index
    %swap3A_62 = memref.load %arg3[%swap3A, %swap3A_61] : memref<1x1xf32, #tpu.memory_space<smem>>
    memref.store %add3A, %arg3[%swap3A, %swap3A_61] : memref<1x1xf32, #tpu.memory_space<smem>>
    return
  }
}

</mosaic_0001>

<sc_bundles>
// kernel: kernel.4.cloned.1.call-start
scs
__scs_entry_jumppad:
0x0: {  	(pc) =	sbr.rel $0x88, $3  }
0x1: {  	(tag) =	ssettag $0x0;
	lr =	simm.s32 $0x1  }
0x2: {  	[smem:$0x3F9F] =	sst lr;
	_ =	strace $0xD0000000  }
0x3: {  	_ = 	snop  }
0x4: {  	_ = 	snop  }
0x5: {  	_ = 	snop  }
0x6: {  	_ = 	snop  }
0x7: {  	_ = 	snop  }
__scs_overlays_trampoline_lowered:
0x8: {  	[smem:$0x3FAE] =	sst s0  }
0x9: {  	[smem:$0x3FAF] =	sst s1  }
0xa: {  	[smem:$0x3FB0] =	sst s2  }
0xb: {  	[smem:$0x3FB1] =	sst s3  }
0xc: {  	[smem:$0x3FB2] =	sst s4  }
0xd: {  	[smem:$0x3FB3] =	sst s5  }
0xe: {  	[smem:$0x3FB4] =	sst s6  }
0xf: {  	[smem:$0x3FB5] =	sst s7  }
0x10: {  	[smem:$0x3FB6] =	sst s8  }
0x11: {  	[smem:$0x3FB7] =	sst s9;
	s0 =	simm.s32 @!p0 $0x0  }
0x12: {  	s1 =	sld [smem:$0x3F9D];
	s0 =	simm.s32 @p0 $0x1  }
0x13: {  	[smem:$0x3FB8] =	sst s0;
	s0 =	simm.s32 @!p1 $0x0  }
0x14: {  	s2 =	sld [smem:$0x3F9C];
	s0 =	simm.s32 @p1 $0x1  }
0x15: {  	[smem:$0x3FB9] =	sst s0;
	s0 =	simm.s32 @!p2 $0x0  }
0x16: {  	s3 =	sld [smem:$0x3FDB];
	s0 =	simm.s32 @p2 $0x1  }
0x17: {  	s4 =	simm.s32 $0x1BF5;
	[smem:$0x3FBB] =	sst s0  }
0x18: {  	s0 =	sld [smem:$0x3F9E];
	_ =	swait.ge [sflag:s4], $0x0  }
0x19: {  	s7 =	sld [smem:$0x3F9F]  }
0x1a: {  	s8 =	sadd.s32 $0xFFFFE003, lr  }
0x1b: {  	s9 =	sadd.s32 $0xFFFFFEF7, lr;
	s5 =	simm.s32 $0xFFFFFFFF;
	p2 =	slt.u32 s8, $0xFFFFF086  }
0x1c: {  	p1 =	slt.u32 s9, $0xF7A;
	s5 =	simm.s32 @!p2 $0x0  }
0x1d: {  	s5 =	simm.s32 @p1 $0x1;
	p0 =	seq.s32 s7, s2  }
0x1e: {  	s7 =	smul.u32 @!p0 $0xF7A, s2;
	p2 =	seq.s32 @!p0 s5, $0x0  }
0x1f: {  	s9 =	smul.u32 $0xF7A, s1;
	s8 =	simm.s32 @!p0 $0x1BF5;
	p2 =	por !p2, p0  }
0x20: {  	[sflag:s8] =	ssyncset.s32 @!p0 $0xFFFFF086;
	s6 =	sadd.s32 @!p0 s3, s7;
	s7 =	simm.s32 @!p0 $0x108  }
0x21: {  	s3 =	sadd.s32 s3, s9;
	s6 =	sadd.s32 @!p0 $0x88, s6;
	s7 =	simm.s32 @p2 $0x1082  }
0x22: {  	[simem:s7], [sflag:s8] =	dma.local @!p0 [hbm:s6], $0xF7A  }
0x23: {  	s9 =	sor.u32 $0xD0000000, s2;
	s6 =	simm.s32 $0x108;
	_ =	swait.ge @!p0 [sflag:s8], $0x0  }
0x24: {  	s3 =	sadd.s32 $0x88, s3;
	s6 =	simm.s32 @!p1 $0x1082;
	[sflag:s4] =	ssyncset.s32 $0xFFFFF086  }
0x25: {  	[simem:s6], [sflag:s4] =	dma.local [hbm:s3], $0xF7A  }
0x26: {  	[smem:$0x3F9F] =	sst s1;
	(tag) =	ssettag s2;
	_ =	strace s9  }
0x27: {  	s1 =	sld [smem:$0x3FAF]  }
0x28: {  	s2 =	sld [smem:$0x3FB0]  }
0x29: {  	s4 =	sld [smem:$0x3FB2]  }
0x2a: {  	p0 =	seq.s32 s5, $0x0;
	s5 =	sld [smem:$0x3FB3]  }
0x2b: {  	s6 =	sld [smem:$0x3FB4]  }
0x2c: {  	s7 =	sld [smem:$0x3FB5]  }
0x2d: {  	s3 =	simm.s32 $0x108;
	s8 =	sld [smem:$0x3FB6]  }
0x2e: {  	s3 =	simm.s32 @!p0 $0x1082;
	s9 =	sld [smem:$0x3FB7]  }
0x2f: {  	lr =	sadd.s32 s0, s3;
	s0 =	sld [smem:$0x3FAE]  }
0x30: {  	s3 =	sld [smem:$0x3FB1]  }
0x31: {  	[smem:$0x3FBA] =	sst s10  }
0x32: {  	s10 =	sld [smem:$0x3FB8];
	_ =	sdelay $0x3  }
0x33: {  	p0 =	seq.s32 s10, $0x1;
	s10 =	sld [smem:$0x3FBA];
	_ =	sdelay $0x3  }
0x34: {  	[smem:$0x3FBA] =	sst s10  }
0x35: {  	s10 =	sld [smem:$0x3FB9];
	_ =	sdelay $0x3  }
0x36: {  	p1 =	seq.s32 s10, $0x1;
	s10 =	sld [smem:$0x3FBA];
	_ =	sdelay $0x3  }
0x37: {  	[smem:$0x3FBA] =	sst s10  }
0x38: {  	s10 =	sld [smem:$0x3FBB]  }
0x39: {  	_ = 	snop;
	(pc) =	sbr.ind lr, $3  }
0x3a: {  	_ = 	snop  }
0x3b: {  	_ = 	snop  }
0x3c: {  	p2 =	seq.s32 s10, $0x1;
	s10 =	sld [smem:$0x3FBA]  }
0x3d: {  	_ =	shalt  }
0x3e: {  	_ =	shalt  }
0x3f: {  	_ =	shalt  }
0x40: {  	_ =	shalt  }
0x41: {  	_ =	shalt  }
0x42: {  	_ =	shalt  }
0x43: {  	_ =	shalt  }
0x44: {  	_ =	shalt  }
0x45: {  	_ =	shalt  }
0x46: {  	_ =	shalt  }
0x47: {  	_ =	shalt  }
0x48: {  	_ =	shalt  }
0x49: {  	_ =	shalt  }
0x4a: {  	_ =	shalt  }
0x4b: {  	_ =	shalt  }
0x4c: {  	_ =	shalt  }
0x4d: {  	_ =	shalt  }
0x4e: {  	_ =	shalt  }
0x4f: {  	_ =	shalt  }
0x50: {  	_ =	shalt  }
0x51: {  	_ =	shalt  }
0x52: {  	_ =	shalt  }
0x53: {  	_ =	shalt  }
0x54: {  	_ =	shalt  }
0x55: {  	_ =	shalt  }
0x56: {  	_ =	shalt  }
0x57: {  	_ =	shalt  }
0x58: {  	_ =	shalt  }
0x59: {  	_ =	shalt  }
0x5a: {  	_ =	shalt  }
0x5b: {  	_ =	shalt  }
0x5c: {  	_ =	shalt  }
0x5d: {  	_ =	shalt  }
0x5e: {  	_ =	shalt  }
0x5f: {  	_ =	shalt  }
0x60: {  	_ =	shalt  }
0x61: {  	_ =	shalt  }
0x62: {  	_ =	shalt  }
0x63: {  	_ =	shalt  }
0x64: {  	_ =	shalt  }
0x65: {  	_ =	shalt  }
0x66: {  	_ =	shalt  }
0x67: {  	_ =	shalt  }
0x68: {  	_ =	shalt  }
0x69: {  	_ =	shalt  }
0x6a: {  	_ =	shalt  }
0x6b: {  	_ =	shalt  }
0x6c: {  	_ =	shalt  }
0x6d: {  	_ =	shalt  }
0x6e: {  	_ =	shalt  }
0x6f: {  	_ =	shalt  }
0x70: {  	_ =	shalt  }
0x71: {  	_ =	shalt  }
0x72: {  	_ =	shalt  }
0x73: {  	_ =	shalt  }
0x74: {  	_ =	shalt  }
0x75: {  	_ =	shalt  }
0x76: {  	_ =	shalt  }
0x77: {  	_ =	shalt  }
0x78: {  	_ =	shalt  }
0x79: {  	_ =	shalt  }
0x7a: {  	_ =	shalt  }
0x7b: {  	_ =	shalt  }
0x7c: {  	_ =	shalt  }
0x7d: {  	_ =	shalt  }
0x7e: {  	_ =	shalt  }
0x7f: {  	_ =	shalt  }
0x80: {  	_ =	shalt  }
0x81: {  	_ =	shalt  }
0x82: {  	_ =	shalt  }
0x83: {  	_ =	shalt  }
0x84: {  	_ =	shalt  }
0x85: {  	_ =	shalt  }
0x86: {  	_ =	shalt  }
0x87: {  	_ =	shalt  }
.Lfunc_end0:
.L_simem_size_0:
called_computation_lowered:
.L_overlay_start_0:
0x88: {  	s2 =	sld [smem:$0x3FD9]  }
0x89: {  	s3 =	sld [smem:$0x3FFE];
	_ =	sdelay $0x1  }
0x8a: {  	s1 =	srdreg.scid  }
0x8b: {  	s0 =	sand.u32 $0x1, s1  }
0x8c: {  	s17 =	sshll.u32 s0, $0xA;
	s2 =	sadd.s32 s3, s2  }
0x8d: {  	s2 =	sadd.s32 s2, s17  }
0x8e: {  	[smem:$0x3FC6] =	sst s2  }
0x8f: {  	_ = 	snop  }
0x90: {  	s2 =	sld [smem:$0x3FC9]  }
0x91: {  	s18 =	sld [smem:$0x3FC8];
	(tm) =	ssettm $0x1  }
0x92: {  	s4 =	sld [smem:$0x3FFB];
	_ =	sdelay $0x3  }
0x93: {  	_ =	strace s4  }
0x94: {  	s4 =	sld [smem:$0x3FFC];
	_ =	sdelay $0x3  }
0x95: {  	_ =	strace s4  }
0x96: {  	s4 =	sld [smem:$0x3FFD];
	_ =	sdelay $0x3  }
0x97: {  	_ =	strace s4  }
0x98: {  	_ =	strace $0x8FFFFFFF  }
0x99: {  	s19 =	sld [smem:$0x3FDB];
	_ =	sdelay $0x1  }
0x9a: {  	s5 =	simm.s32 $_scs_section_size  }
0x9b: {  	s6 =	simm.s32 $_size__tile_overlayer_lowered;
	s7 =	simm.s32 $_tile_overlayer_lowered  }
0x9c: {  	s22 =	simm.s32 $0x1BFF;
	s21 =	sshll.u32 s7, $0x1;
	s4 =	sadd.s32 s5, s19  }
0x9d: {  	s8 =	simm.s32 $0x0;
	s20 =	sshll.u32 s6, $0x1;
	s6 =	sadd.s32 s21, s4  }
0x9e: {  	[timem:s8], [sflag:s22] =	dma.local [hbm:s6], s20  }
0x9f: {  	_ =	swait.ge [sflag:s22], s20  }
0xa0: {  	s5 =	ssub.s32 $0x0, s20;
	[sflag:s22] =	ssyncset.done $0x0  }
0xa1: {  	[sflag:s22] =	ssyncadd.s32 s5;
	_ =	sdelay $0x1  }
0xa2: {  	s23 =	simm.s32 $0x1B8B  }
0xa3: {  	_ =	swait.ge [sflag:s23], $0x1  }
0xa4: {  	[sflag:s23] =	ssyncset.done $0x0  }
0xa5: {  	s25 =	simm.s32 $0x1B8E;
	s24 =	sld [smem:$0x3FFE];
	[sflag:s23] =	ssyncadd.s32 $0xFFFFFFFF  }
0xa6: {  	s26 =	simm.s32 $execute0_lowered;
	[smem:$0x3FD2] =	sst s25  }
0xa7: {  	s6 =	sshll.u32 s26, $0x1;
	_ =	strace $0x80000046;
	[dreg:$0x1] =	wrdreg $0xFFFFFFFF  }
0xa8: {  	s28 =	simm.s32 $_size_execute0_lowered;
	s4 =	sadd.s32 s4, s6;
	[dreg:$0x0] =	wrdreg $0x0  }
0xa9: {  	s6 =	sshll.u32 s28, $0x1;
	[dreg:$0x2] =	wrdreg s4  }
0xaa: {  	[dreg:$0x3] =	wrdreg s6  }
0xab: {  	[dreg:$0x4] =	wrdreg $0xC0  }
0xac: {  	_ =	task [dreg:s8], $0x5FFFF  }
0xad: {  	[dreg:$0x1] =	wrdreg $0xFFFFFFFF  }
0xae: {  	[dreg:$0x0] =	wrdreg $0x60  }
0xaf: {  	[dreg:$0x2] =	wrdreg s2  }
0xb0: {  	[dreg:$0x3] =	wrdreg s18  }
0xb1: {  	[dreg:$0x4] =	wrdreg s24  }
0xb2: {  	[dreg:$0x5] =	wrdreg $0x9  }
0xb3: {  	_ =	task.clear_ibuf [dreg:s8], $0x6FFFF;
	_ =	strace $0x90000046  }
0xb4: {  	s29 =	simm.s32 $0x9;
	_ =	strace $0x80000048  }
0xb5: {  	_ =	swait.ge [sflag:s29], $0x1  }
0xb6: {  	[sflag:s29] =	ssyncadd.s32 $0xFFFFFFFF  }
0xb7: {  	_ =	strace $0x90000048  }
0xb8: {  	_ =	sfence  }
0xb9: {  	s30 =	sld [smem:$0x0];
	_ =	sdelay $0x2  }
0xba: {  	s31 =	sshll.u32 s1, $0xD;
	s1 =	sshrl.u32 s1, $0x2  }
0xbb: {  	s3 =	sand.u32 $0x4000, s31;
	s1 =	sadd.s32 s1, s30  }
0xbc: {  	s0 =	sor.u32 s3, s0;
	s1 =	sshll.u32 s1, $0x11  }
0xbd: {  	s0 =	sor.u32 s1, s0  }
0xbe: {  	s0 =	sadd.s32 $0x8F2B, s0  }
0xbf: {  	[sflag:s0] =	ssyncadd.remote.s32 $0x1  }
0xc0: {  	_ =	sfence.sel $0xFFFF  }
0xc1: {  	[dreg:$0x0] =	wrdreg $0xFFFFFFFF;
	(pc) =	sbr.abs _section_cstart, $3  }
0xc2: {  	[dreg:$0x1] =	wrdreg $0xFFFFFFFF  }
0xc3: {  	_ =	task.clear_ibuf [dreg:s8], $0x2FFFF;
	_ =	strace $0x9FFFFFFF  }
0xc4: {  	(tm) =	ssettm $0x7FFFFFFF  }
0xc5: {  	_ =	shalt  }
tec
execute0_lowered:
.L_overlay_start_1:
0x0: {  	(tag) =	ssettag $0x1  }
0x1: {  	s1 =	rddreg [dreg:$0x0]  }
0x2: {  	s0 =	rddreg [dreg:$0x1]  }
0x3: {  	s2 =	rddreg [dreg:$0x2]  }
0x4: {  	s4 =	srdreg.scid;
	s3 =	simm.s32 $0x0;
	s6 =	stileid.u32  }
0x5: {  	s13 =	simm.s32 $0xC880;
	s14 =	simm.s32 $0xD080;
	s15 =	simm.s32 $0xD880  }
0x6: {  	s16 =	simm.s32 $0xE080;
	s17 =	simm.s32 $0xE880;
	s18 =	simm.s32 $0xF080  }
0x7: {  	s23 =	simm.s32 $0x10180;
	s24 =	simm.s32 $0x4;
	s4 =	sand.u32 $0x1, s4  }
0x8: {  	s25 =	simm.s32 $0x12180;
	s28 =	simm.s32 $0x0;
	s5 =	sshll.u32 s4, $0x4  }
0x9: {  	[smem:$0x7FF] =	sst s3;
	s4 =	ssub.s32 $0x2, s4;
	s5 =	sor.u32 s6, s5  }
0xa: {  	_ =	strace $0x80000047;
	s26 =	sshrl.u32 s4, $0x1;
	s6 =	sshll.u32 s5, $0xA  }
0xb: {  	v10 =	vlaneseq.u32;
	vm0 =	vmmov $0xffff;
	s7 =	sshll.u32 s5, $0x8;
	s9 =	ssub.s32 s4, s26;
	s10 =	sshll.u32 s5, $0x7  }
0xc: {  	v13 =	vimm.f32 $0.0e+00;
	v6 =	vshrl.u32 v10, $0x3;
	s29 =	sshll.u32 s5, $0x4;
	s5 =	sadd.s32 $0x100, s1;
	s26 =	simm.s32 $0x12980;
	v0 =	vor.u32 s10, v10  }
0xd: {  	v14 =	vimm.f32 $1.000000000e+00;
	v6 =	vmul.u32 $0x8, v6;
	s6 =	sadd.s32 s6, s2;
	s2 =	sadd.s32 s7, s2;
	s30 =	sor.u32 $0x10, s10;
	v4 =	vshll.u32 v0, $0x2  }
0xe: {  	s4 =	sadd.s32 s0, s29;
	s9 =	smax.u32 s9, $0x1;
	s31 =	sor.u32 $0x20, s10;
	v1 =	vor.u32 s30, v10;
	v5 =	vand.u32 $0x7FFFFE20, v4;
	v4 =	vand.u32 $0x7, v10  }
0xf: {  	s11 =	sor.u32 $0x30, s10;
	s19 =	sor.u32 $0x40, s10;
	s20 =	sor.u32 $0x50, s10;
	v2 =	vor.u32 s31, v10;
	v7 =	vor.u32 v4, v5;
	v5 =	vor.u32 $0x8, v10  }
0x10: {  	s21 =	sor.u32 $0x60, s10;
	s22 =	sor.u32 $0x70, s10;
	s6 =	sadd.s32 $0xE00, s6;
	v3 =	vor.u32 s11, v10;
	v11 =	vperm.xlane v7, v4;
	v12 =	vperm.xlane v7, v5  }
0x11: {  	s7 =	sadd.s32 $0x8E00, s2;
	s8 =	sadd.s32 $0xAE00, s2;
	v8 =	vor.u32 s20, v10;
	v9 =	vor.u32 s21, v10;
	s20 =	simm.s32 $0x1;
	v7 =	vor.u32 s19, v10  }
0x12: {  	s21 =	simm.s32 $0x2;
	s19 =	simm.s32 $0xF880;
	v10 =	vor.u32 s22, v10;
	s22 =	simm.s32 $0x3;
	v11 =	vadd.s32 v6, v11;
	v12 =	vadd.s32 v6, v12  }
.LBB2_1:
0x13: {  	s0 =	simm.s32 $0x10080  }
0x14: {  	[tilespmem:s0], [sflag:$0x1] =	stream.linear.gather [hbm4b:s4+s3], $0x80, $0x38;
	[tilespmem:$0x13180] =	vst v63  }
0x15: {  	[tilespmem:$0x0] =	vst v0  }
0x16: {  	[tilespmem:$0x10] =	vst v1  }
0x17: {  	[tilespmem:$0x20] =	vst v2  }
0x18: {  	[tilespmem:$0x30] =	vst v3  }
0x19: {  	[tilespmem:$0x40] =	vst v7  }
0x1a: {  	[tilespmem:$0x50] =	vst v8  }
0x1b: {  	[tilespmem:$0x60] =	vst v9  }
0x1c: {  	s10 =	simm.s32 $0x80;
	[tilespmem:$0x70] =	vst v10  }
0x1d: {  	[tilespmem:s10], [sflag:$0x2] =	stream.indirect_vreg.gather [hbm4b:s1+s3], $0x80, v11, vm0, $0xb8;
	[tilespmem:$0x13180] =	vst v63  }
0x1e: {  	s11 =	simm.s32 $0x880  }
0x1f: {  	[tilespmem:s11], [sflag:$0x2] =	stream.indirect_vreg.gather [hbm4b:s5+s3], $0x80, v11, vm0, $0xb8;
	[tilespmem:$0x13180] =	vst v63  }
0x20: {  	s12 =	simm.s32 $0x1080  }
0x21: {  	[tilespmem:s12], [sflag:$0x2] =	stream.indirect_vreg.gather [hbm4b:s1+s3], $0x80, v12, vm0, $0xb8;
	[tilespmem:$0x13180] =	vst v63  }
0x22: {  	s29 =	simm.s32 $0x1880  }
0x23: {  	[tilespmem:s29], [sflag:$0x2] =	stream.indirect_vreg.gather [hbm4b:s5+s3], $0x80, v12, vm0, $0xb8;
	[tilespmem:$0x13180] =	vst v63  }
0x24: {  	v15 =	vld [tilespmem:$0x10];
	_ =	sdelay $0x4  }
0x25: {  	v16 =	vshll.u32 v15, $0x2  }
0x26: {  	v15 =	vand.u32 $0x7, v15;
	v16 =	vand.u32 $0xFFFFFFE0, v16  }
0x27: {  	v15 =	vor.u32 v15, v16  }
0x28: {  	v16 =	vperm.xlane v15, v4;
	_ =	sdelay $0x1  }
0x29: {  	v16 =	vadd.s32 v6, v16;
	_ =	sdelay $0x1  }
0x2a: {  	v15 =	vperm.xlane v15, v5;
	_ =	sdelay $0x1  }
0x2b: {  	s30 =	simm.s32 $0x2080;
	v15 =	vadd.s32 v6, v15  }
0x2c: {  	[tilespmem:s30], [sflag:$0x2] =	stream.indirect_vreg.gather [hbm4b:s1+s3], $0x80, v16, vm0, $0xb8;
	[tilespmem:$0x13180] =	vst v63  }
0x2d: {  	s31 =	simm.s32 $0x2880  }
0x2e: {  	[tilespmem:s31], [sflag:$0x2] =	stream.indirect_vreg.gather [hbm4b:s5+s3], $0x80, v16, vm0, $0xb8;
	[tilespmem:$0x13180] =	vst v63  }
0x2f: {  	s2 =	simm.s32 $0x3080  }
0x30: {  	[tilespmem:s2], [sflag:$0x2] =	stream.indirect_vreg.gather [hbm4b:s1+s3], $0x80, v15, vm0, $0xb8;
	[tilespmem:$0x13180] =	vst v63  }
0x31: {  	s10 =	simm.s32 $0x3880  }
0x32: {  	[tilespmem:s10], [sflag:$0x2] =	stream.indirect_vreg.gather [hbm4b:s5+s3], $0x80, v15, vm0, $0xb8;
	[tilespmem:$0x13180] =	vst v63  }
0x33: {  	v15 =	vld [tilespmem:$0x20];
	_ =	sdelay $0x4  }
0x34: {  	v58 =	vshll.u32 v15, $0x2  }
0x35: {  	v15 =	vand.u32 $0x7, v15;
	v16 =	vand.u32 $0xFFFFFFE0, v58  }
0x36: {  	v15 =	vor.u32 v15, v16  }
0x37: {  	v16 =	vperm.xlane v15, v4;
	_ =	sdelay $0x1  }
0x38: {  	v16 =	vadd.s32 v6, v16;
	_ =	sdelay $0x1  }
0x39: {  	v15 =	vperm.xlane v15, v5;
	_ =	sdelay $0x1  }
0x3a: {  	s11 =	simm.s32 $0x4080;
	v15 =	vadd.s32 v6, v15  }
0x3b: {  	[tilespmem:s11], [sflag:$0x2] =	stream.indirect_vreg.gather [hbm4b:s1+s3], $0x80, v16, vm0, $0xb8;
	[tilespmem:$0x13180] =	vst v63  }
0x3c: {  	s12 =	simm.s32 $0x4880  }
0x3d: {  	[tilespmem:s12], [sflag:$0x2] =	stream.indirect_vreg.gather [hbm4b:s5+s3], $0x80, v16, vm0, $0xb8;
	[tilespmem:$0x13180] =	vst v63  }
0x3e: {  	s29 =	simm.s32 $0x5080  }
0x3f: {  	[tilespmem:s29], [sflag:$0x2] =	stream.indirect_vreg.gather [hbm4b:s1+s3], $0x80, v15, vm0, $0xb8;
	[tilespmem:$0x13180] =	vst v63  }
0x40: {  	s30 =	simm.s32 $0x5880  }
0x41: {  	[tilespmem:s30], [sflag:$0x2] =	stream.indirect_vreg.gather [hbm4b:s5+s3], $0x80, v15, vm0, $0xb8;
	[tilespmem:$0x13180] =	vst v63  }
0x42: {  	v15 =	vld [tilespmem:$0x30];
	_ =	sdelay $0x4  }
0x43: {  	v59 =	vshll.u32 v15, $0x2  }
0x44: {  	v15 =	vand.u32 $0x7, v15;
	v16 =	vand.u32 $0xFFFFFFE0, v59  }
0x45: {  	v15 =	vor.u32 v15, v16  }
0x46: {  	v16 =	vperm.xlane v15, v4;
	_ =	sdelay $0x1  }
0x47: {  	v16 =	vadd.s32 v6, v16;
	_ =	sdelay $0x1  }
0x48: {  	v15 =	vperm.xlane v15, v5;
	_ =	sdelay $0x1  }
0x49: {  	s31 =	simm.s32 $0x6080;
	v15 =	vadd.s32 v6, v15  }
0x4a: {  	[tilespmem:s31], [sflag:$0x2] =	stream.indirect_vreg.gather [hbm4b:s1+s3], $0x80, v16, vm0, $0xb8;
	[tilespmem:$0x13180] =	vst v63  }
0x4b: {  	s2 =	simm.s32 $0x6880  }
0x4c: {  	[tilespmem:s2], [sflag:$0x2] =	stream.indirect_vreg.gather [hbm4b:s5+s3], $0x80, v16, vm0, $0xb8;
	[tilespmem:$0x13180] =	vst v63  }
0x4d: {  	s10 =	simm.s32 $0x7080  }
0x4e: {  	[tilespmem:s10], [sflag:$0x2] =	stream.indirect_vreg.gather [hbm4b:s1+s3], $0x80, v15, vm0, $0xb8;
	[tilespmem:$0x13180] =	vst v63  }
0x4f: {  	s11 =	simm.s32 $0x7880  }
0x50: {  	[tilespmem:s11], [sflag:$0x2] =	stream.indirect_vreg.gather [hbm4b:s5+s3], $0x80, v15, vm0, $0xb8;
	[tilespmem:$0x13180] =	vst v63  }
0x51: {  	v15 =	vld [tilespmem:$0x40];
	_ =	sdelay $0x4  }
0x52: {  	v60 =	vshll.u32 v15, $0x2  }
0x53: {  	v15 =	vand.u32 $0x7, v15;
	v16 =	vand.u32 $0xFFFFFFE0, v60  }
0x54: {  	v15 =	vor.u32 v15, v16  }
0x55: {  	v16 =	vperm.xlane v15, v4;
	_ =	sdelay $0x1  }
0x56: {  	v16 =	vadd.s32 v6, v16;
	_ =	sdelay $0x1  }
0x57: {  	v15 =	vperm.xlane v15, v5;
	_ =	sdelay $0x1  }
0x58: {  	s12 =	simm.s32 $0x8080;
	v15 =	vadd.s32 v6, v15  }
0x59: {  	[tilespmem:s12], [sflag:$0x3] =	stream.indirect_vreg.gather [hbm4b:s1+s3], $0x80, v16, vm0, $0xb8;
	[tilespmem:$0x13180] =	vst v63  }
0x5a: {  	s29 =	simm.s32 $0x8880  }
0x5b: {  	[tilespmem:s29], [sflag:$0x3] =	stream.indirect_vreg.gather [hbm4b:s5+s3], $0x80, v16, vm0, $0xb8;
	[tilespmem:$0x13180] =	vst v63  }
0x5c: {  	s30 =	simm.s32 $0x9080  }
0x5d: {  	[tilespmem:s30], [sflag:$0x3] =	stream.indirect_vreg.gather [hbm4b:s1+s3], $0x80, v15, vm0, $0xb8;
	[tilespmem:$0x13180] =	vst v63  }
0x5e: {  	s31 =	simm.s32 $0x9880  }
0x5f: {  	[tilespmem:s31], [sflag:$0x3] =	stream.indirect_vreg.gather [hbm4b:s5+s3], $0x80, v15, vm0, $0xb8;
	[tilespmem:$0x13180] =	vst v63  }
0x60: {  	v15 =	vld [tilespmem:$0x50];
	_ =	sdelay $0x4  }
0x61: {  	v61 =	vshll.u32 v15, $0x2  }
0x62: {  	v15 =	vand.u32 $0x7, v15;
	v16 =	vand.u32 $0xFFFFFFE0, v61  }
0x63: {  	v15 =	vor.u32 v15, v16  }
0x64: {  	v16 =	vperm.xlane v15, v4;
	_ =	sdelay $0x1  }
0x65: {  	v16 =	vadd.s32 v6, v16;
	_ =	sdelay $0x1  }
0x66: {  	v15 =	vperm.xlane v15, v5;
	_ =	sdelay $0x1  }
0x67: {  	s2 =	simm.s32 $0xA080;
	v15 =	vadd.s32 v6, v15  }
0x68: {  	[tilespmem:s2], [sflag:$0x3] =	stream.indirect_vreg.gather [hbm4b:s1+s3], $0x80, v16, vm0, $0xb8;
	[tilespmem:$0x13180] =	vst v63  }
0x69: {  	s10 =	simm.s32 $0xA880  }
0x6a: {  	[tilespmem:s10], [sflag:$0x3] =	stream.indirect_vreg.gather [hbm4b:s5+s3], $0x80, v16, vm0, $0xb8;
	[tilespmem:$0x13180] =	vst v63  }
0x6b: {  	s11 =	simm.s32 $0xB080  }
0x6c: {  	[tilespmem:s11], [sflag:$0x3] =	stream.indirect_vreg.gather [hbm4b:s1+s3], $0x80, v15, vm0, $0xb8;
	[tilespmem:$0x13180] =	vst v63  }
0x6d: {  	s12 =	simm.s32 $0xB880  }
0x6e: {  	[tilespmem:s12], [sflag:$0x3] =	stream.indirect_vreg.gather [hbm4b:s5+s3], $0x80, v15, vm0, $0xb8;
	[tilespmem:$0x13180] =	vst v63  }
0x6f: {  	v15 =	vld [tilespmem:$0x60];
	_ =	sdelay $0x4  }
0x70: {  	v62 =	vshll.u32 v15, $0x2  }
0x71: {  	v15 =	vand.u32 $0x7, v15;
	v16 =	vand.u32 $0xFFFFFFE0, v62  }
0x72: {  	v15 =	vor.u32 v15, v16  }
0x73: {  	v16 =	vperm.xlane v15, v4;
	_ =	sdelay $0x1  }
0x74: {  	v16 =	vadd.s32 v6, v16;
	_ =	sdelay $0x1  }
0x75: {  	v15 =	vperm.xlane v15, v5;
	_ =	sdelay $0x1  }
0x76: {  	s29 =	simm.s32 $0xC080;
	v15 =	vadd.s32 v6, v15  }
0x77: {  	[tilespmem:s29], [sflag:$0x3] =	stream.indirect_vreg.gather [hbm4b:s1+s3], $0x80, v16, vm0, $0xb8;
	[tilespmem:$0x13180] =	vst v63  }
0x78: {  	_ = 	snop  }
0x79: {  	[tilespmem:s13], [sflag:$0x3] =	stream.indirect_vreg.gather [hbm4b:s5+s3], $0x80, v16, vm0, $0xb8;
	[tilespmem:$0x13180] =	vst v63  }
0x7a: {  	_ = 	snop  }
0x7b: {  	[tilespmem:s14], [sflag:$0x3] =	stream.indirect_vreg.gather [hbm4b:s1+s3], $0x80, v15, vm0, $0xb8;
	[tilespmem:$0x13180] =	vst v63  }
0x7c: {  	_ = 	snop  }
0x7d: {  	[tilespmem:s15], [sflag:$0x3] =	stream.indirect_vreg.gather [hbm4b:s5+s3], $0x80, v15, vm0, $0xb8;
	[tilespmem:$0x13180] =	vst v63  }
0x7e: {  	v15 =	vld [tilespmem:$0x70];
	_ =	sdelay $0x4  }
0x7f: {  	v63 =	vshll.u32 v15, $0x2  }
0x80: {  	v15 =	vand.u32 $0x7, v15;
	v16 =	vand.u32 $0xFFFFFFE0, v63  }
0x81: {  	v15 =	vor.u32 v15, v16  }
0x82: {  	v16 =	vperm.xlane v15, v4;
	_ =	sdelay $0x1  }
0x83: {  	v16 =	vadd.s32 v6, v16;
	_ =	sdelay $0x1  }
0x84: {  	v15 =	vperm.xlane v15, v5  }
0x85: {  	s30 =	simm.s32 $0x0  }
0x86: {  	s0 =	sand.u32 $0x1000, s30;
	s2 =	sand.u32 $0xC00, s3;
	s10 =	simm.s32 $0x0;
	v15 =	vadd.s32 v6, v15  }
0x87: {  	[tilespmem:s16], [sflag:$0x3] =	stream.indirect_vreg.gather [hbm4b:s1+s3], $0x80, v16, vm0, $0xb8;
	[tilespmem:$0x13180] =	vst v63  }
0x88: {  	s0 =	sor.u32 s2, s0;
	s10 =	sand.u32 $0x380, s10  }
0x89: {  	[tilespmem:s17], [sflag:$0x3] =	stream.indirect_vreg.gather [hbm4b:s5+s3], $0x80, v16, vm0, $0xb8;
	[tilespmem:$0x13180] =	vst v63  }
0x8a: {  	s31 =	sand.u32 $0x70, s3;
	s0 =	sor.u32 s0, s10  }
0x8b: {  	[tilespmem:s18], [sflag:$0x3] =	stream.indirect_vreg.gather [hbm4b:s1+s3], $0x80, v15, vm0, $0xb8;
	[tilespmem:$0x13180] =	vst v63  }
0x8c: {  	s2 =	sor.u32 s31, s0  }
0x8d: {  	[tilespmem:s19], [sflag:$0x3] =	stream.indirect_vreg.gather [hbm4b:s5+s3], $0x80, v15, vm0, $0xb8;
	[tilespmem:$0x13180] =	vst v63  }
0x8e: {  	s10 =	simm.s32 $0x0;
	s0 =	simm.s32 $0x1;
	[tilespmem:s2+$0x10180] =	vst v13;
	s2 =	simm.s32 $0x80  }
.LBB2_2:
0x8f: {  	s29 =	sshll.u32 s0, $0x4;
	p0 =	sne.s32 s0, $0x1FF  }
0x90: {  	s30 =	smov.u32 s0;
	s0 =	sadd.s32 $0x1, s0;
	s31 =	sand.u32 $0xC00, s2  }
.Ltmp0:
0x91: {  	s29 =	sand.u32 $0x1000, s29;
	s30 =	sshll.u32 s30, $0x2;
	(pc) =	sbr.rel @p0 .LBB2_2-.Ltmp0, $4  }
0x92: {  	s10 =	sadd.s32 $0x10, s10;
	s30 =	sand.u32 $0x380, s30;
	s29 =	sor.u32 s31, s29  }
0x93: {  	s31 =	sand.u32 $0x70, s10;
	s29 =	sor.u32 s29, s30  }
0x94: {  	s29 =	sor.u32 s31, s29  }
0x95: {  	s2 =	sadd.s32 $0x80, s2;
	[tilespmem:s29+$0x10180] =	vst v13  }
0x96: {  	[tilespmem:$0x12180] =	vst v13  }
0x97: {  	[tilespmem:$0x12980] =	vst v13  }
0x98: {  	[tilespmem:$0x12200] =	vst v13  }
0x99: {  	[tilespmem:$0x12A00] =	vst v13  }
0x9a: {  	[tilespmem:$0x12280] =	vst v13  }
0x9b: {  	[tilespmem:$0x12A80] =	vst v13  }
0x9c: {  	[tilespmem:$0x12300] =	vst v13  }
0x9d: {  	[tilespmem:$0x12B00] =	vst v13  }
0x9e: {  	[tilespmem:$0x12380] =	vst v13  }
0x9f: {  	[tilespmem:$0x12B80] =	vst v13  }
0xa0: {  	[tilespmem:$0x12400] =	vst v13  }
0xa1: {  	[tilespmem:$0x12C00] =	vst v13  }
0xa2: {  	[tilespmem:$0x12480] =	vst v13  }
0xa3: {  	[tilespmem:$0x12C80] =	vst v13  }
0xa4: {  	[tilespmem:$0x12500] =	vst v13  }
0xa5: {  	[tilespmem:$0x12D00] =	vst v13  }
0xa6: {  	[tilespmem:$0x12580] =	vst v13  }
0xa7: {  	[tilespmem:$0x12D80] =	vst v13  }
0xa8: {  	[tilespmem:$0x12600] =	vst v13  }
0xa9: {  	[tilespmem:$0x12E00] =	vst v13  }
0xaa: {  	[tilespmem:$0x12680] =	vst v13  }
0xab: {  	[tilespmem:$0x12E80] =	vst v13  }
0xac: {  	[tilespmem:$0x12700] =	vst v13  }
0xad: {  	[tilespmem:$0x12F00] =	vst v13  }
0xae: {  	[tilespmem:$0x12780] =	vst v13  }
0xaf: {  	[tilespmem:$0x12F80] =	vst v13  }
0xb0: {  	[tilespmem:$0x12800] =	vst v13  }
0xb1: {  	[tilespmem:$0x13000] =	vst v13  }
0xb2: {  	[tilespmem:$0x12880] =	vst v13  }
0xb3: {  	[tilespmem:$0x13080] =	vst v13  }
0xb4: {  	[tilespmem:$0x12900] =	vst v13  }
0xb5: {  	[tilespmem:$0x13100] =	vst v13  }
0xb6: {  	_ =	swait.ge [sflag:s20], $0x80  }
0xb7: {  	[sflag:s20] =	ssyncset.done $0x0  }
0xb8: {  	[sflag:s20] =	ssyncadd.s32 $0xFFFFFF80  }
0xb9: {  	s29 =	simm.s32 $0x0;
	_ =	swait.ge [sflag:s21], $0x8000  }
0xba: {  	s0 =	sand.u32 $0x7000, s29;
	s2 =	sand.u32 $0x380, s29;
	[sflag:s21] =	ssyncset.done $0x0  }
0xbb: {  	s0 =	sor.u32 s2, s0;
	[sflag:s21] =	ssyncadd.s32 $0xFFFF8000  }
0xbc: {  	v20 =	vld [tilespmem:s0+$0xCF0]  }
0xbd: {  	v22 =	vld [tilespmem:s0+$0xCE0]  }
0xbe: {  	v18 =	vld [tilespmem:s0+$0xCD0]  }
0xbf: {  	v16 =	vld [tilespmem:s0+$0xCC0]  }
0xc0: {  	v21 =	vld [tilespmem:s0+$0xCB0]  }
0xc1: {  	v17 =	vld [tilespmem:s0+$0xCA0]  }
0xc2: {  	v15 =	vld [tilespmem:s0+$0xC90]  }
0xc3: {  	s30 =	simm.s32 $0x10080;
	v19 =	vld [tilespmem:s0+$0xC80]  }
0xc4: {  	v28 =	vld [tilespmem:s30+$0x0]  }
0xc5: {  	v23 =	vld [tilespmem:s0+$0x8F0]  }
0xc6: {  	v24 =	vld [tilespmem:s0+$0x8E0]  }
0xc7: {  	v26 =	vld [tilespmem:s0+$0x8D0]  }
0xc8: {  	v29 =	vld [tilespmem:s0+$0x8C0]  }
0xc9: {  	v30 =	vld [tilespmem:s0+$0x8B0];
	(v2sf) =	vpush v28, $0x0  }
0xca: {  	v39 =	vld [tilespmem:s0+$0x4F0]  }
0xcb: {  	v33 =	vld [tilespmem:s0+$0x8A0];
	v25 =	vmul.f32 v16, v16  }
0xcc: {  	v37 =	vld [tilespmem:s0+$0x880];
	v27 =	vmul.f32 v18, v18;
	v32 =	vmul.f32 v17, v17  }
0xcd: {  	v31 =	vld [tilespmem:s0+$0x890];
	v34 =	vmul.f32 v21, v21;
	v35 =	vmul.f32 v19, v19  }
0xce: {  	v38 =	vld [tilespmem:s0+$0x4E0];
	v36 =	vmul.f32 v15, v15;
	v63 =	vmul.f32 v29, v29  }
0xcf: {  	v44 =	vld [tilespmem:s0+$0x4D0];
	v42 =	vmul.f32 v26, v26;
	v43 =	vmul.f32 v39, v39;
	v25 =	vadd.f32 v27, v25  }
0xd0: {  	v41 =	vld [tilespmem:s0+$0x4C0];
	v27 =	vmul.f32 v22, v22;
	v35 =	vadd.f32 v36, v35;
	v32 =	vadd.f32 v34, v32  }
0xd1: {  	v40 =	vld [tilespmem:s0+$0x4B0];
	v34 =	vmul.f32 v24, v24;
	v36 =	vmul.f32 v37, v37  }
0xd2: {  	s31 =	simm.s32 $0x200;
	v28 =	vadd.f32 v32, v35;
	v35 =	vmul.f32 v33, v33;
	v32 =	vadd.f32 v42, v63;
	v42 =	vld [tilespmem:s0+$0x4A0]  }
.LBB2_4:
0xd3: {  	p0 =	sne.s32 s31, $0x7E00;
	v45 =	vld [tilespmem:s0+$0x490];
	s29 =	sadd.s32 $0x80, s29;
	s30 =	sadd.s32 $0x1, s30  }
0xd4: {  	s2 =	smov.u32 s31;
	s31 =	sadd.s32 $0x200, s31;
	v46 =	vld [tilespmem:s0+$0x480]  }
0xd5: {  	v49 =	vmul.f32 v44, v44;
	v47 =	vld [tilespmem:s0+$0xF0];
	v48 =	vmul.f32 v41, v41  }
0xd6: {  	v50 =	vld [tilespmem:s0+$0xE0]  }
0xd7: {  	v53 =	vmul.f32 v40, v40;
	v51 =	vld [tilespmem:s0+$0xD0];
	v52 =	vmul.f32 v42, v42;
	v48 =	vadd.f32 v49, v48  }
0xd8: {  	v49 =	vld [tilespmem:s0+$0x80];
	s10 =	spop (v2sf)  }
0xd9: {  	v56 =	vmul.f32 v45, v45;
	v54 =	vld [tilespmem:s0+$0x90];
	v55 =	vmul.f32 v46, v46;
	v52 =	vadd.f32 v53, v52;
	s11 =	sshll.u32 s10, $0x9;
	s10 =	sshll.u32 s10, $0x7  }
0xda: {  	v53 =	vld [tilespmem:s0+$0xA0];
	s11 =	sand.u32 $0xFFFFF000, s11;
	s12 =	sand.u32 $0x380, s10  }
0xdb: {  	v59 =	vmul.f32 v47, v47;
	v57 =	vld [tilespmem:s0+$0xB0];
	v58 =	vmul.f32 v50, v50;
	v55 =	vadd.f32 v56, v55;
	s11 =	sor.u32 s12, s11  }
0xdc: {  	v56 =	vld [tilespmem:s0+$0xC0];
	s0 =	sadd.s32 $0x10180, s11  }
0xdd: {  	v58 =	vadd.f32 v59, v58;
	v52 =	vadd.f32 v52, v55;
	[tilespmem:s11+$0x10180] =	vst.add.f32.msk $0xffff, v49;
	s11 =	sor.u32 $0x10, s0  }
0xde: {  	v49 =	vmul.f32 v49, v49;
	v55 =	vmul.f32 v54, v54;
	[tilespmem:s11+$0x0] =	vst.add.f32.msk $0xffff, v54;
	s11 =	sor.u32 $0x20, s0  }
0xdf: {  	v54 =	vmul.f32 v51, v51;
	[tilespmem:s11+$0x0] =	vst.add.f32.msk $0xffff, v53;
	s11 =	sor.u32 $0x30, s0  }
0xe0: {  	v53 =	vmul.f32 v53, v53;
	v59 =	vmul.f32 v57, v57;
	v49 =	vadd.f32 v55, v49;
	[tilespmem:s11+$0x0] =	vst.add.f32.msk $0xffff, v57;
	s11 =	sor.u32 $0x40, s0  }
0xe1: {  	v57 =	vmul.f32 v38, v38;
	v55 =	vmul.f32 v56, v56;
	[tilespmem:s11+$0x0] =	vst.add.f32.msk $0xffff, v56;
	s11 =	sor.u32 $0x50, s0  }
0xe2: {  	v53 =	vadd.f32 v59, v53;
	[tilespmem:s11+$0x0] =	vst.add.f32.msk $0xffff, v51;
	s11 =	sor.u32 $0x60, s0  }
0xe3: {  	v43 =	vadd.f32 v43, v57;
	v51 =	vadd.f32 v54, v55;
	[tilespmem:s11+$0x0] =	vst.add.f32.msk $0xffff, v50;
	s11 =	sor.u32 $0x70, s0  }
0xe4: {  	v49 =	vadd.f32 v53, v49;
	[tilespmem:s11+$0x0] =	vst.add.f32.msk $0xffff, v47  }
0xe5: {  	v43 =	vadd.f32 v43, v48;
	v47 =	vadd.f32 v58, v51;
	[tilespmem:s0+$0x450] =	vst.add.f32.msk $0xffff, v44  }
0xe6: {  	[tilespmem:s0+$0x470] =	vst.add.f32.msk $0xffff, v39  }
0xe7: {  	v43 =	vadd.f32 v43, v52;
	v39 =	vadd.f32 v47, v49;
	[tilespmem:s0+$0x460] =	vst.add.f32.msk $0xffff, v38  }
0xe8: {  	[tilespmem:s0+$0x440] =	vst.add.f32.msk $0xffff, v41  }
0xe9: {  	v38 =	vadd.f32 v43, v39;
	[tilespmem:s0+$0x430] =	vst.add.f32.msk $0xffff, v40  }
0xea: {  	[tilespmem:s0+$0x420] =	vst.add.f32.msk $0xffff, v42  }
0xeb: {  	[tilespmem:s0+$0x400] =	vst.add.f32.msk $0xffff, v46  }
0xec: {  	s11 =	sor.u32 $0x800, s0;
	[tilespmem:s0+$0x410] =	vst.add.f32.msk $0xffff, v45  }
0xed: {  	[tilespmem:s11+$0x0] =	vst.add.f32.msk $0xffff, v37;
	s11 =	sor.u32 $0x810, s0  }
0xee: {  	[tilespmem:s11+$0x0] =	vst.add.f32.msk $0xffff, v31;
	s11 =	sor.u32 $0x820, s0  }
0xef: {  	[tilespmem:s11+$0x0] =	vst.add.f32.msk $0xffff, v33;
	s11 =	sor.u32 $0x830, s0  }
0xf0: {  	v37 =	vmul.f32 v20, v20;
	v33 =	vmul.f32 v23, v23;
	[tilespmem:s11+$0x0] =	vst.add.f32.msk $0xffff, v30;
	s11 =	sor.u32 $0x840, s0  }
0xf1: {  	v31 =	vmul.f32 v31, v31;
	v30 =	vmul.f32 v30, v30;
	[tilespmem:s11+$0x0] =	vst.add.f32.msk $0xffff, v29;
	s11 =	sor.u32 $0x850, s0  }
0xf2: {  	v27 =	vadd.f32 v37, v27;
	v29 =	vadd.f32 v33, v34;
	[tilespmem:s11+$0x0] =	vst.add.f32.msk $0xffff, v26;
	s11 =	sor.u32 $0x860, s0  }
0xf3: {  	v26 =	vadd.f32 v31, v36;
	v30 =	vadd.f32 v30, v35;
	[tilespmem:s11+$0x0] =	vst.add.f32.msk $0xffff, v24;
	s11 =	sor.u32 $0x870, s0  }
0xf4: {  	v24 =	vadd.f32 v27, v25;
	[tilespmem:s11+$0x0] =	vst.add.f32.msk $0xffff, v23  }
0xf5: {  	v25 =	vadd.f32 v29, v32;
	v23 =	vadd.f32 v30, v26;
	[tilespmem:s0+$0xC60] =	vst.add.f32.msk $0xffff, v22  }
0xf6: {  	[tilespmem:s0+$0xC70] =	vst.add.f32.msk $0xffff, v20  }
0xf7: {  	v22 =	vadd.f32 v24, v28;
	v20 =	vadd.f32 v25, v23;
	[tilespmem:s0+$0xC50] =	vst.add.f32.msk $0xffff, v18  }
0xf8: {  	[tilespmem:s0+$0xC30] =	vst.add.f32.msk $0xffff, v21  }
0xf9: {  	v18 =	vadd.f32 v22, v20;
	[tilespmem:s0+$0xC40] =	vst.add.f32.msk $0xffff, v16  }
0xfa: {  	[tilespmem:s0+$0xC20] =	vst.add.f32.msk $0xffff, v17  }
0xfb: {  	v16 =	vadd.f32 v18, v38;
	[tilespmem:s0+$0xC00] =	vst.add.f32.msk $0xffff, v19  }
0xfc: {  	[tilespmem:s0+$0xC10] =	vst.add.f32.msk $0xffff, v15  }
0xfd: {  	s0 =	sand.u32 $0x7000, s2;
	s2 =	sand.u32 $0x380, s29;
	[tilespmem:s10+$0x12180] =	vst.add.f32.msk $0xffff, v16  }
0xfe: {  	s0 =	sor.u32 s2, s0;
	[tilespmem:s10+$0x12980] =	vst.add.f32.msk $0xffff, v14  }
0xff: {  	v20 =	vld [tilespmem:s0+$0xCF0]  }
0x100: {  	v22 =	vld [tilespmem:s0+$0xCE0]  }
0x101: {  	v18 =	vld [tilespmem:s0+$0xCD0]  }
0x102: {  	v16 =	vld [tilespmem:s0+$0xCC0]  }
0x103: {  	v21 =	vld [tilespmem:s0+$0xCB0]  }
0x104: {  	v17 =	vld [tilespmem:s0+$0xCA0]  }
0x105: {  	v15 =	vld [tilespmem:s0+$0xC90];
	v27 =	vmul.f32 v22, v22  }
0x106: {  	v19 =	vld [tilespmem:s0+$0xC80]  }
0x107: {  	v26 =	vmul.f32 v18, v18;
	v28 =	vld [tilespmem:s30+$0x0];
	v25 =	vmul.f32 v16, v16  }
0x108: {  	v23 =	vld [tilespmem:s0+$0x8F0]  }
0x109: {  	v24 =	vld [tilespmem:s0+$0x8E0];
	v31 =	vmul.f32 v17, v17;
	v25 =	vadd.f32 v26, v25  }
0x10a: {  	v32 =	vmul.f32 v21, v21;
	v26 =	vld [tilespmem:s0+$0x8D0]  }
0x10b: {  	v35 =	vmul.f32 v15, v15;
	v29 =	vld [tilespmem:s0+$0x8C0];
	v34 =	vmul.f32 v19, v19  }
0x10c: {  	v30 =	vld [tilespmem:s0+$0x8B0];
	(v2sf) =	vpush v28, $0x0  }
0x10d: {  	v32 =	vadd.f32 v32, v31;
	v33 =	vld [tilespmem:s0+$0x8A0];
	v28 =	vadd.f32 v35, v34  }
0x10e: {  	v31 =	vld [tilespmem:s0+$0x890];
	v34 =	vmul.f32 v24, v24  }
0x10f: {  	v37 =	vld [tilespmem:s0+$0x880];
	v28 =	vadd.f32 v32, v28  }
0x110: {  	v36 =	vmul.f32 v26, v26;
	v39 =	vld [tilespmem:s0+$0x4F0];
	v32 =	vmul.f32 v29, v29  }
.Ltmp1:
0x111: {  	v38 =	vld [tilespmem:s0+$0x4E0];
	(pc) =	sbr.rel @p0 .LBB2_4-.Ltmp1, $4  }
0x112: {  	v44 =	vld [tilespmem:s0+$0x4D0];
	v35 =	vmul.f32 v33, v33;
	v32 =	vadd.f32 v36, v32  }
0x113: {  	v41 =	vld [tilespmem:s0+$0x4C0]  }
0x114: {  	v40 =	vld [tilespmem:s0+$0x4B0];
	v36 =	vmul.f32 v37, v37  }
0x115: {  	v42 =	vld [tilespmem:s0+$0x4A0];
	v43 =	vmul.f32 v39, v39  }
0x116: {  	v45 =	vld [tilespmem:s0+$0x490]  }
0x117: {  	v46 =	vld [tilespmem:s0+$0x480]  }
0x118: {  	v47 =	vld [tilespmem:s0+$0xF0]  }
0x119: {  	v48 =	vld [tilespmem:s0+$0xE0]  }
0x11a: {  	v49 =	vld [tilespmem:s0+$0xD0]  }
0x11b: {  	v50 =	vld [tilespmem:s0+$0x80];
	s2 =	spop (v2sf)  }
0x11c: {  	v51 =	vld [tilespmem:s0+$0x90];
	s10 =	sshll.u32 s2, $0x9;
	s2 =	sshll.u32 s2, $0x7  }
0x11d: {  	v52 =	vld [tilespmem:s0+$0xA0];
	s10 =	sand.u32 $0xFFFFF000, s10;
	s11 =	sand.u32 $0x380, s2  }
0x11e: {  	v53 =	vld [tilespmem:s0+$0xB0];
	s10 =	sor.u32 s11, s10  }
0x11f: {  	v54 =	vld [tilespmem:s0+$0xC0];
	s0 =	sadd.s32 $0x10180, s10  }
0x120: {  	[tilespmem:s10+$0x10180] =	vst.add.f32.msk $0xffff, v50;
	s12 =	sor.u32 $0x10, s0  }
0x121: {  	s11 =	sor.u32 $0x20, s0;
	[tilespmem:s12+$0x0] =	vst.add.f32.msk $0xffff, v51  }
0x122: {  	s12 =	sor.u32 $0x30, s0;
	[tilespmem:s11+$0x0] =	vst.add.f32.msk $0xffff, v52  }
0x123: {  	s11 =	sor.u32 $0x40, s0;
	[tilespmem:s12+$0x0] =	vst.add.f32.msk $0xffff, v53  }
0x124: {  	s12 =	sor.u32 $0x50, s0;
	[tilespmem:s11+$0x0] =	vst.add.f32.msk $0xffff, v54  }
0x125: {  	s11 =	sor.u32 $0x60, s0;
	[tilespmem:s12+$0x0] =	vst.add.f32.msk $0xffff, v49  }
0x126: {  	s12 =	sor.u32 $0x70, s0;
	[tilespmem:s11+$0x0] =	vst.add.f32.msk $0xffff, v48  }
0x127: {  	[tilespmem:s12+$0x0] =	vst.add.f32.msk $0xffff, v47  }
0x128: {  	[tilespmem:s0+$0x450] =	vst.add.f32.msk $0xffff, v44  }
0x129: {  	[tilespmem:s0+$0x470] =	vst.add.f32.msk $0xffff, v39  }
0x12a: {  	v62 =	vmul.f32 v44, v44;
	[tilespmem:s0+$0x460] =	vst.add.f32.msk $0xffff, v38  }
0x12b: {  	v55 =	vmul.f32 v41, v41;
	v56 =	vmul.f32 v40, v40;
	[tilespmem:s0+$0x440] =	vst.add.f32.msk $0xffff, v41  }
0x12c: {  	v63 =	vmul.f32 v42, v42;
	v57 =	vmul.f32 v46, v46;
	[tilespmem:s0+$0x430] =	vst.add.f32.msk $0xffff, v40  }
0x12d: {  	v59 =	vmul.f32 v47, v47;
	v60 =	vmul.f32 v50, v50;
	[tilespmem:s0+$0x420] =	vst.add.f32.msk $0xffff, v42  }
0x12e: {  	v61 =	vmul.f32 v51, v51;
	v58 =	vadd.f32 v56, v63;
	v63 =	vmul.f32 v53, v53;
	[tilespmem:s0+$0x400] =	vst.add.f32.msk $0xffff, v46  }
0x12f: {  	v56 =	vmul.f32 v23, v23;
	v51 =	vmul.f32 v54, v54;
	s11 =	sor.u32 $0x800, s0;
	[tilespmem:s0+$0x410] =	vst.add.f32.msk $0xffff, v45  }
0x130: {  	v48 =	vmul.f32 v48, v48;
	s12 =	sor.u32 $0x810, s0;
	v39 =	vadd.f32 v62, v55;
	v55 =	vmul.f32 v45, v45;
	[tilespmem:s11+$0x0] =	vst.add.f32.msk $0xffff, v37  }
0x131: {  	v53 =	vadd.f32 v61, v60;
	v62 =	vmul.f32 v52, v52;
	v52 =	vmul.f32 v38, v38;
	s11 =	sor.u32 $0x820, s0;
	[tilespmem:s12+$0x0] =	vst.add.f32.msk $0xffff, v31  }
0x132: {  	v49 =	vmul.f32 v49, v49;
	v44 =	vadd.f32 v59, v48;
	v41 =	vadd.f32 v55, v57;
	s12 =	sor.u32 $0x830, s0;
	[tilespmem:s11+$0x0] =	vst.add.f32.msk $0xffff, v33  }
0x133: {  	v54 =	vadd.f32 v63, v62;
	v38 =	vadd.f32 v43, v52;
	v57 =	vmul.f32 v20, v20;
	s11 =	sor.u32 $0x840, s0;
	[tilespmem:s12+$0x0] =	vst.add.f32.msk $0xffff, v30  }
0x134: {  	v31 =	vmul.f32 v31, v31;
	v40 =	vadd.f32 v58, v41;
	v41 =	vadd.f32 v49, v51;
	s12 =	sor.u32 $0x850, s0;
	[tilespmem:s11+$0x0] =	vst.add.f32.msk $0xffff, v29  }
0x135: {  	v55 =	vadd.f32 v54, v53;
	v30 =	vmul.f32 v30, v30;
	v27 =	vadd.f32 v57, v27;
	s11 =	sor.u32 $0x860, s0;
	[tilespmem:s12+$0x0] =	vst.add.f32.msk $0xffff, v26  }
0x136: {  	v29 =	vadd.f32 v56, v34;
	v41 =	vadd.f32 v44, v41;
	s12 =	sor.u32 $0x870, s0;
	[tilespmem:s11+$0x0] =	vst.add.f32.msk $0xffff, v24  }
0x137: {  	v26 =	vadd.f32 v31, v36;
	v30 =	vadd.f32 v30, v35;
	[tilespmem:s12+$0x0] =	vst.add.f32.msk $0xffff, v23  }
0x138: {  	v25 =	vadd.f32 v27, v25;
	v24 =	vadd.f32 v38, v39;
	[tilespmem:s0+$0xC60] =	vst.add.f32.msk $0xffff, v22  }
0x139: {  	v23 =	vadd.f32 v30, v26;
	v26 =	vadd.f32 v29, v32;
	[tilespmem:s0+$0xC70] =	vst.add.f32.msk $0xffff, v20  }
0x13a: {  	v22 =	vadd.f32 v41, v55;
	v24 =	vadd.f32 v24, v40;
	[tilespmem:s0+$0xC50] =	vst.add.f32.msk $0xffff, v18  }
0x13b: {  	[tilespmem:s0+$0xC30] =	vst.add.f32.msk $0xffff, v21;
	v20 =	vadd.f32 v26, v23;
	v23 =	vadd.f32 v25, v28  }
0x13c: {  	[tilespmem:s0+$0xC40] =	vst.add.f32.msk $0xffff, v16  }
0x13d: {  	[tilespmem:s0+$0xC20] =	vst.add.f32.msk $0xffff, v17;
	v18 =	vadd.f32 v24, v22;
	v20 =	vadd.f32 v23, v20  }
0x13e: {  	[tilespmem:s0+$0xC00] =	vst.add.f32.msk $0xffff, v19  }
0x13f: {  	[tilespmem:s0+$0xC10] =	vst.add.f32.msk $0xffff, v15;
	v16 =	vadd.f32 v20, v18  }
0x140: {  	[tilespmem:s2+$0x12980] =	vst.add.f32.msk $0xffff, v14  }
0x141: {  	[tilespmem:s2+$0x12180] =	vst.add.f32.msk $0xffff, v16  }
0x142: {  	s29 =	simm.s32 $0x2000;
	s11 =	simm.s32 $0x8000;
	_ =	swait.ge [sflag:s22], $0x8000  }
0x143: {  	s12 =	sand.u32 $0x380, s29;
	s0 =	sand.u32 $0xF000, s11;
	[sflag:s22] =	ssyncset.done $0x0  }
0x144: {  	s0 =	sor.u32 s12, s0;
	[sflag:s22] =	ssyncadd.s32 $0xFFFF8000  }
0x145: {  	v20 =	vld [tilespmem:s0+$0xCF0]  }
0x146: {  	v22 =	vld [tilespmem:s0+$0xCE0]  }
0x147: {  	v18 =	vld [tilespmem:s0+$0xCD0]  }
0x148: {  	v16 =	vld [tilespmem:s0+$0xCC0]  }
0x149: {  	v21 =	vld [tilespmem:s0+$0xCB0]  }
0x14a: {  	v17 =	vld [tilespmem:s0+$0xCA0]  }
0x14b: {  	v15 =	vld [tilespmem:s0+$0xC90]  }
0x14c: {  	s30 =	simm.s32 $0x100C0;
	v19 =	vld [tilespmem:s0+$0xC80]  }
0x14d: {  	v28 =	vld [tilespmem:s30+$0x0]  }
0x14e: {  	v23 =	vld [tilespmem:s0+$0x8F0]  }
0x14f: {  	v24 =	vld [tilespmem:s0+$0x8E0]  }
0x150: {  	v26 =	vld [tilespmem:s0+$0x8D0]  }
0x151: {  	v29 =	vld [tilespmem:s0+$0x8C0]  }
0x152: {  	v30 =	vld [tilespmem:s0+$0x8B0];
	(v2sf) =	vpush v28, $0x0  }
0x153: {  	v33 =	vld [tilespmem:s0+$0x8A0]  }
0x154: {  	v37 =	vld [tilespmem:s0+$0x880];
	v25 =	vmul.f32 v16, v16  }
0x155: {  	v39 =	vld [tilespmem:s0+$0x4F0];
	v27 =	vmul.f32 v18, v18;
	v58 =	vmul.f32 v17, v17  }
0x156: {  	v31 =	vld [tilespmem:s0+$0x890];
	v59 =	vmul.f32 v21, v21;
	v60 =	vmul.f32 v19, v19  }
0x157: {  	v38 =	vld [tilespmem:s0+$0x4E0];
	v61 =	vmul.f32 v15, v15;
	v62 =	vmul.f32 v29, v29  }
0x158: {  	v44 =	vld [tilespmem:s0+$0x4D0];
	v63 =	vmul.f32 v26, v26;
	v34 =	vmul.f32 v24, v24  }
0x159: {  	v41 =	vld [tilespmem:s0+$0x4C0];
	v36 =	vmul.f32 v37, v37;
	v35 =	vadd.f32 v61, v60;
	v32 =	vadd.f32 v59, v58  }
0x15a: {  	v40 =	vld [tilespmem:s0+$0x4B0];
	v43 =	vmul.f32 v39, v39;
	v25 =	vadd.f32 v27, v25;
	v27 =	vmul.f32 v22, v22  }
0x15b: {  	s31 =	simm.s32 $0x8200;
	v42 =	vld [tilespmem:s0+$0x4A0];
	v28 =	vadd.f32 v32, v35;
	v35 =	vmul.f32 v33, v33;
	v32 =	vadd.f32 v63, v62  }
.LBB2_6:
0x15c: {  	p0 =	sne.s32 s31, $0xFE00;
	v45 =	vld [tilespmem:s0+$0x490];
	s29 =	sadd.s32 $0x80, s29;
	s30 =	sadd.s32 $0x1, s30  }
0x15d: {  	s2 =	smov.u32 s31;
	s31 =	sadd.s32 $0x200, s31;
	v46 =	vld [tilespmem:s0+$0x480]  }
0x15e: {  	v49 =	vmul.f32 v44, v44;
	v47 =	vld [tilespmem:s0+$0xF0];
	v48 =	vmul.f32 v41, v41  }
0x15f: {  	v50 =	vld [tilespmem:s0+$0xE0]  }
0x160: {  	v53 =	vmul.f32 v40, v40;
	v51 =	vld [tilespmem:s0+$0xD0];
	v52 =	vmul.f32 v42, v42;
	v48 =	vadd.f32 v49, v48  }
0x161: {  	v49 =	vld [tilespmem:s0+$0x80];
	s10 =	spop (v2sf)  }
0x162: {  	v56 =	vmul.f32 v45, v45;
	v54 =	vld [tilespmem:s0+$0x90];
	v55 =	vmul.f32 v46, v46;
	v52 =	vadd.f32 v53, v52;
	s11 =	sshll.u32 s10, $0x9;
	s10 =	sshll.u32 s10, $0x7  }
0x163: {  	v53 =	vld [tilespmem:s0+$0xA0];
	s11 =	sand.u32 $0xFFFFF000, s11;
	s12 =	sand.u32 $0x380, s10  }
0x164: {  	v59 =	vmul.f32 v47, v47;
	v57 =	vld [tilespmem:s0+$0xB0];
	v58 =	vmul.f32 v50, v50;
	v55 =	vadd.f32 v56, v55;
	s11 =	sor.u32 s12, s11  }
0x165: {  	v56 =	vld [tilespmem:s0+$0xC0];
	s0 =	sadd.s32 $0x10180, s11  }
0x166: {  	v58 =	vadd.f32 v59, v58;
	v52 =	vadd.f32 v52, v55;
	[tilespmem:s11+$0x10180] =	vst.add.f32.msk $0xffff, v49;
	s11 =	sor.u32 $0x10, s0  }
0x167: {  	v49 =	vmul.f32 v49, v49;
	v55 =	vmul.f32 v54, v54;
	[tilespmem:s11+$0x0] =	vst.add.f32.msk $0xffff, v54;
	s11 =	sor.u32 $0x20, s0  }
0x168: {  	v54 =	vmul.f32 v51, v51;
	[tilespmem:s11+$0x0] =	vst.add.f32.msk $0xffff, v53;
	s11 =	sor.u32 $0x30, s0  }
0x169: {  	v53 =	vmul.f32 v53, v53;
	v59 =	vmul.f32 v57, v57;
	v49 =	vadd.f32 v55, v49;
	[tilespmem:s11+$0x0] =	vst.add.f32.msk $0xffff, v57;
	s11 =	sor.u32 $0x40, s0  }
0x16a: {  	v57 =	vmul.f32 v38, v38;
	v55 =	vmul.f32 v56, v56;
	[tilespmem:s11+$0x0] =	vst.add.f32.msk $0xffff, v56;
	s11 =	sor.u32 $0x50, s0  }
0x16b: {  	v53 =	vadd.f32 v59, v53;
	[tilespmem:s11+$0x0] =	vst.add.f32.msk $0xffff, v51;
	s11 =	sor.u32 $0x60, s0  }
0x16c: {  	v43 =	vadd.f32 v43, v57;
	v51 =	vadd.f32 v54, v55;
	[tilespmem:s11+$0x0] =	vst.add.f32.msk $0xffff, v50;
	s11 =	sor.u32 $0x70, s0  }
0x16d: {  	v49 =	vadd.f32 v53, v49;
	[tilespmem:s11+$0x0] =	vst.add.f32.msk $0xffff, v47  }
0x16e: {  	v43 =	vadd.f32 v43, v48;
	v47 =	vadd.f32 v58, v51;
	[tilespmem:s0+$0x450] =	vst.add.f32.msk $0xffff, v44  }
0x16f: {  	[tilespmem:s0+$0x470] =	vst.add.f32.msk $0xffff, v39  }
0x170: {  	v43 =	vadd.f32 v43, v52;
	v39 =	vadd.f32 v47, v49;
	[tilespmem:s0+$0x460] =	vst.add.f32.msk $0xffff, v38  }
0x171: {  	[tilespmem:s0+$0x440] =	vst.add.f32.msk $0xffff, v41  }
0x172: {  	v38 =	vadd.f32 v43, v39;
	[tilespmem:s0+$0x430] =	vst.add.f32.msk $0xffff, v40  }
0x173: {  	[tilespmem:s0+$0x420] =	vst.add.f32.msk $0xffff, v42  }
0x174: {  	[tilespmem:s0+$0x400] =	vst.add.f32.msk $0xffff, v46  }
0x175: {  	s11 =	sor.u32 $0x800, s0;
	[tilespmem:s0+$0x410] =	vst.add.f32.msk $0xffff, v45  }
0x176: {  	[tilespmem:s11+$0x0] =	vst.add.f32.msk $0xffff, v37;
	s11 =	sor.u32 $0x810, s0  }
0x177: {  	[tilespmem:s11+$0x0] =	vst.add.f32.msk $0xffff, v31;
	s11 =	sor.u32 $0x820, s0  }
0x178: {  	[tilespmem:s11+$0x0] =	vst.add.f32.msk $0xffff, v33;
	s11 =	sor.u32 $0x830, s0  }
0x179: {  	v37 =	vmul.f32 v20, v20;
	v33 =	vmul.f32 v23, v23;
	[tilespmem:s11+$0x0] =	vst.add.f32.msk $0xffff, v30;
	s11 =	sor.u32 $0x840, s0  }
0x17a: {  	v31 =	vmul.f32 v31, v31;
	v30 =	vmul.f32 v30, v30;
	[tilespmem:s11+$0x0] =	vst.add.f32.msk $0xffff, v29;
	s11 =	sor.u32 $0x850, s0  }
0x17b: {  	v27 =	vadd.f32 v37, v27;
	v29 =	vadd.f32 v33, v34;
	[tilespmem:s11+$0x0] =	vst.add.f32.msk $0xffff, v26;
	s11 =	sor.u32 $0x860, s0  }
0x17c: {  	v26 =	vadd.f32 v31, v36;
	v30 =	vadd.f32 v30, v35;
	[tilespmem:s11+$0x0] =	vst.add.f32.msk $0xffff, v24;
	s11 =	sor.u32 $0x870, s0  }
0x17d: {  	v24 =	vadd.f32 v27, v25;
	[tilespmem:s11+$0x0] =	vst.add.f32.msk $0xffff, v23  }
0x17e: {  	v25 =	vadd.f32 v29, v32;
	v23 =	vadd.f32 v30, v26;
	[tilespmem:s0+$0xC60] =	vst.add.f32.msk $0xffff, v22  }
0x17f: {  	[tilespmem:s0+$0xC70] =	vst.add.f32.msk $0xffff, v20  }
0x180: {  	v22 =	vadd.f32 v24, v28;
	v20 =	vadd.f32 v25, v23;
	[tilespmem:s0+$0xC50] =	vst.add.f32.msk $0xffff, v18  }
0x181: {  	[tilespmem:s0+$0xC30] =	vst.add.f32.msk $0xffff, v21  }
0x182: {  	v18 =	vadd.f32 v22, v20;
	[tilespmem:s0+$0xC40] =	vst.add.f32.msk $0xffff, v16  }
0x183: {  	[tilespmem:s0+$0xC20] =	vst.add.f32.msk $0xffff, v17  }
0x184: {  	v16 =	vadd.f32 v18, v38;
	[tilespmem:s0+$0xC00] =	vst.add.f32.msk $0xffff, v19  }
0x185: {  	[tilespmem:s0+$0xC10] =	vst.add.f32.msk $0xffff, v15  }
0x186: {  	s0 =	sand.u32 $0xF000, s2;
	s2 =	sand.u32 $0x380, s29;
	[tilespmem:s10+$0x12180] =	vst.add.f32.msk $0xffff, v16  }
0x187: {  	s0 =	sor.u32 s2, s0;
	[tilespmem:s10+$0x12980] =	vst.add.f32.msk $0xffff, v14  }
0x188: {  	v20 =	vld [tilespmem:s0+$0xCF0]  }
0x189: {  	v22 =	vld [tilespmem:s0+$0xCE0]  }
0x18a: {  	v18 =	vld [tilespmem:s0+$0xCD0]  }
0x18b: {  	v16 =	vld [tilespmem:s0+$0xCC0]  }
0x18c: {  	v21 =	vld [tilespmem:s0+$0xCB0]  }
0x18d: {  	v17 =	vld [tilespmem:s0+$0xCA0]  }
0x18e: {  	v15 =	vld [tilespmem:s0+$0xC90];
	v27 =	vmul.f32 v22, v22  }
0x18f: {  	v19 =	vld [tilespmem:s0+$0xC80]  }
0x190: {  	v26 =	vmul.f32 v18, v18;
	v28 =	vld [tilespmem:s30+$0x0];
	v25 =	vmul.f32 v16, v16  }
0x191: {  	v23 =	vld [tilespmem:s0+$0x8F0]  }
0x192: {  	v24 =	vld [tilespmem:s0+$0x8E0];
	v31 =	vmul.f32 v17, v17;
	v25 =	vadd.f32 v26, v25  }
0x193: {  	v32 =	vmul.f32 v21, v21;
	v26 =	vld [tilespmem:s0+$0x8D0]  }
0x194: {  	v35 =	vmul.f32 v15, v15;
	v29 =	vld [tilespmem:s0+$0x8C0];
	v34 =	vmul.f32 v19, v19  }
0x195: {  	v30 =	vld [tilespmem:s0+$0x8B0];
	(v2sf) =	vpush v28, $0x0  }
0x196: {  	v32 =	vadd.f32 v32, v31;
	v33 =	vld [tilespmem:s0+$0x8A0];
	v28 =	vadd.f32 v35, v34  }
0x197: {  	v31 =	vld [tilespmem:s0+$0x890];
	v34 =	vmul.f32 v24, v24  }
0x198: {  	v37 =	vld [tilespmem:s0+$0x880];
	v28 =	vadd.f32 v32, v28  }
0x199: {  	v36 =	vmul.f32 v26, v26;
	v39 =	vld [tilespmem:s0+$0x4F0];
	v32 =	vmul.f32 v29, v29  }
.Ltmp2:
0x19a: {  	v38 =	vld [tilespmem:s0+$0x4E0];
	(pc) =	sbr.rel @p0 .LBB2_6-.Ltmp2, $4  }
0x19b: {  	v44 =	vld [tilespmem:s0+$0x4D0];
	v35 =	vmul.f32 v33, v33;
	v32 =	vadd.f32 v36, v32  }
0x19c: {  	v41 =	vld [tilespmem:s0+$0x4C0]  }
0x19d: {  	v40 =	vld [tilespmem:s0+$0x4B0];
	v36 =	vmul.f32 v37, v37  }
0x19e: {  	v42 =	vld [tilespmem:s0+$0x4A0];
	v43 =	vmul.f32 v39, v39  }
0x19f: {  	v45 =	vld [tilespmem:s0+$0x490]  }
0x1a0: {  	v46 =	vld [tilespmem:s0+$0x480]  }
0x1a1: {  	v47 =	vld [tilespmem:s0+$0xF0]  }
0x1a2: {  	v48 =	vld [tilespmem:s0+$0xE0]  }
0x1a3: {  	v49 =	vld [tilespmem:s0+$0xD0]  }
0x1a4: {  	v50 =	vld [tilespmem:s0+$0x80];
	s2 =	spop (v2sf)  }
0x1a5: {  	v51 =	vld [tilespmem:s0+$0x90];
	s10 =	sshll.u32 s2, $0x9;
	s2 =	sshll.u32 s2, $0x7  }
0x1a6: {  	v52 =	vld [tilespmem:s0+$0xA0];
	s10 =	sand.u32 $0xFFFFF000, s10;
	s11 =	sand.u32 $0x380, s2  }
0x1a7: {  	v53 =	vld [tilespmem:s0+$0xB0];
	s10 =	sor.u32 s11, s10  }
0x1a8: {  	v54 =	vld [tilespmem:s0+$0xC0];
	s0 =	sadd.s32 $0x10180, s10  }
0x1a9: {  	[tilespmem:s10+$0x10180] =	vst.add.f32.msk $0xffff, v50;
	s11 =	sor.u32 $0x10, s0  }
0x1aa: {  	s12 =	sor.u32 $0x20, s0;
	[tilespmem:s11+$0x0] =	vst.add.f32.msk $0xffff, v51  }
0x1ab: {  	s29 =	sor.u32 $0x30, s0;
	[tilespmem:s12+$0x0] =	vst.add.f32.msk $0xffff, v52  }
0x1ac: {  	s30 =	sor.u32 $0x40, s0;
	[tilespmem:s29+$0x0] =	vst.add.f32.msk $0xffff, v53  }
0x1ad: {  	s31 =	sor.u32 $0x50, s0;
	[tilespmem:s30+$0x0] =	vst.add.f32.msk $0xffff, v54  }
0x1ae: {  	s11 =	sor.u32 $0x60, s0;
	[tilespmem:s31+$0x0] =	vst.add.f32.msk $0xffff, v49  }
0x1af: {  	s12 =	sor.u32 $0x70, s0;
	[tilespmem:s11+$0x0] =	vst.add.f32.msk $0xffff, v48  }
0x1b0: {  	[tilespmem:s12+$0x0] =	vst.add.f32.msk $0xffff, v47  }
0x1b1: {  	[tilespmem:s0+$0x450] =	vst.add.f32.msk $0xffff, v44  }
0x1b2: {  	[tilespmem:s0+$0x470] =	vst.add.f32.msk $0xffff, v39  }
0x1b3: {  	v62 =	vmul.f32 v44, v44;
	[tilespmem:s0+$0x460] =	vst.add.f32.msk $0xffff, v38  }
0x1b4: {  	v55 =	vmul.f32 v41, v41;
	v56 =	vmul.f32 v40, v40;
	[tilespmem:s0+$0x440] =	vst.add.f32.msk $0xffff, v41  }
0x1b5: {  	v63 =	vmul.f32 v42, v42;
	v57 =	vmul.f32 v46, v46;
	[tilespmem:s0+$0x430] =	vst.add.f32.msk $0xffff, v40  }
0x1b6: {  	v60 =	vmul.f32 v51, v51;
	v51 =	vmul.f32 v20, v20;
	[tilespmem:s0+$0x420] =	vst.add.f32.msk $0xffff, v42  }
0x1b7: {  	v58 =	vmul.f32 v47, v47;
	v59 =	vmul.f32 v50, v50;
	[tilespmem:s0+$0x400] =	vst.add.f32.msk $0xffff, v46  }
0x1b8: {  	v61 =	vmul.f32 v52, v52;
	v50 =	vmul.f32 v23, v23;
	s29 =	sor.u32 $0x800, s0;
	v27 =	vadd.f32 v51, v27;
	[tilespmem:s0+$0x410] =	vst.add.f32.msk $0xffff, v45  }
0x1b9: {  	v56 =	vadd.f32 v56, v63;
	v63 =	vmul.f32 v54, v54;
	v52 =	vmul.f32 v31, v31;
	s30 =	sor.u32 $0x810, s0;
	[tilespmem:s29+$0x0] =	vst.add.f32.msk $0xffff, v37  }
0x1ba: {  	v54 =	vadd.f32 v50, v34;
	s31 =	sor.u32 $0x820, s0;
	v25 =	vadd.f32 v27, v25;
	v48 =	vmul.f32 v48, v48;
	[tilespmem:s30+$0x0] =	vst.add.f32.msk $0xffff, v31  }
0x1bb: {  	s11 =	sor.u32 $0x830, s0;
	v47 =	vadd.f32 v60, v59;
	v39 =	vadd.f32 v62, v55;
	v55 =	vmul.f32 v45, v45;
	[tilespmem:s31+$0x0] =	vst.add.f32.msk $0xffff, v33  }
0x1bc: {  	s12 =	sor.u32 $0x840, s0;
	v44 =	vadd.f32 v58, v48;
	v62 =	vmul.f32 v53, v53;
	v45 =	vmul.f32 v38, v38;
	[tilespmem:s11+$0x0] =	vst.add.f32.msk $0xffff, v30  }
0x1bd: {  	v49 =	vmul.f32 v49, v49;
	v58 =	vadd.f32 v54, v32;
	s29 =	sor.u32 $0x850, s0;
	v41 =	vadd.f32 v55, v57;
	[tilespmem:s12+$0x0] =	vst.add.f32.msk $0xffff, v29  }
0x1be: {  	v53 =	vmul.f32 v30, v30;
	v48 =	vadd.f32 v62, v61;
	v38 =	vadd.f32 v43, v45;
	s30 =	sor.u32 $0x860, s0;
	[tilespmem:s29+$0x0] =	vst.add.f32.msk $0xffff, v26  }
0x1bf: {  	v55 =	vadd.f32 v52, v36;
	s31 =	sor.u32 $0x870, s0;
	v40 =	vadd.f32 v56, v41;
	[tilespmem:s30+$0x0] =	vst.add.f32.msk $0xffff, v24  }
0x1c0: {  	v41 =	vadd.f32 v49, v63;
	v30 =	vadd.f32 v53, v35;
	[tilespmem:s31+$0x0] =	vst.add.f32.msk $0xffff, v23  }
0x1c1: {  	v49 =	vadd.f32 v48, v47;
	v56 =	vadd.f32 v38, v39;
	[tilespmem:s0+$0xC60] =	vst.add.f32.msk $0xffff, v22  }
0x1c2: {  	v41 =	vadd.f32 v44, v41;
	v57 =	vadd.f32 v30, v55;
	[tilespmem:s0+$0xC70] =	vst.add.f32.msk $0xffff, v20  }
0x1c3: {  	v61 =	vadd.f32 v25, v28;
	v24 =	vadd.f32 v56, v40;
	[tilespmem:s0+$0xC50] =	vst.add.f32.msk $0xffff, v18  }
0x1c4: {  	v59 =	vadd.f32 v41, v49;
	v60 =	vadd.f32 v58, v57;
	[tilespmem:s0+$0xC30] =	vst.add.f32.msk $0xffff, v21  }
0x1c5: {  	[tilespmem:s0+$0xC40] =	vst.add.f32.msk $0xffff, v16  }
0x1c6: {  	[tilespmem:s0+$0xC20] =	vst.add.f32.msk $0xffff, v17;
	v62 =	vadd.f32 v24, v59;
	v20 =	vadd.f32 v61, v60  }
0x1c7: {  	[tilespmem:s0+$0xC00] =	vst.add.f32.msk $0xffff, v19  }
0x1c8: {  	[tilespmem:s0+$0xC10] =	vst.add.f32.msk $0xffff, v15;
	v63 =	vadd.f32 v20, v62  }
0x1c9: {  	[tilespmem:s2+$0x12980] =	vst.add.f32.msk $0xffff, v14  }
0x1ca: {  	[tilespmem:s2+$0x12180] =	vst.add.f32.msk $0xffff, v63  }
0x1cb: {  	[hbm4b:s6+s3] =	stream.linear.scatter [tilespmem:s23], [sflag:$0x4], $0x2000, $0x38;
	[tilespmem:$0x13180] =	vst v63  }
0x1cc: {  	_ =	swait.ge [sflag:s24], $0x2000  }
0x1cd: {  	[sflag:s24] =	ssyncset.done $0x0  }
0x1ce: {  	[sflag:s24] =	ssyncadd.s32 $0xFFFFE000  }
0x1cf: {  	[hbm4b:s7+s3] =	stream.linear.scatter [tilespmem:s25], [sflag:$0x4], $0x800, $0x38;
	[tilespmem:$0x13180] =	vst v63  }
0x1d0: {  	s28 =	sadd.s32 $0x1, s28;
	_ =	swait.ge [sflag:s24], $0x800  }
0x1d1: {  	p0 =	sne.s32 s28, s9;
	[sflag:s24] =	ssyncset.done $0x0  }
.Ltmp3:
0x1d2: {  	[sflag:s24] =	ssyncadd.s32 $0xFFFFF800;
	(pc) =	sbr.rel @p0 .LBB2_1-.Ltmp3, $4  }
0x1d3: {  	[hbm4b:s8+s3] =	stream.linear.scatter [tilespmem:s26], [sflag:$0x4], $0x800, $0x38;
	[tilespmem:$0x13180] =	vst v63  }
0x1d4: {  	_ =	swait.ge [sflag:s24], $0x800  }
0x1d5: {  	[sflag:s24] =	ssyncset.done $0x0  }
0x1d6: {  	[sflag:s24] =	ssyncadd.s32 $0xFFFFF800  }
0x1d7: {  	_ =	sfence.sel $0x180000  }
0x1d8: {  	[bflag:$0x0] =	sbarrier.arrive $0xFFFF  }
0x1d9: {  	_ =	strace $0x90000047  }
0x1da: {  	s0 =	stileid.u32;
	[bflag:$0x2] =	sbarrier.arrive $0xFFFF  }
0x1db: {  	p0 =	sne.s32 s0, $0x0;
	s0 =	rddreg [dreg:$0x3]  }
0x1dc: {  	s0 =	sadd.s32 @!p0 $0x100000, s0  }
0x1dd: {  	[sflag:s0] =	ssyncadd.tile.s32 @!p0 $0x1;
	_ =	shalt  }
.Lfunc_end2:
_tile_overlayer_lowered:
.L_overlay_start_2:
0x1de: {  	(tag) =	ssettag $0x2  }
0x1df: {  	s0 =	rddreg [dreg:$0x0];
	s2 =	stileid.u32  }
0x1e0: {  	s1 =	rddreg [dreg:$0x1];
	p0 =	sne.s32 s2, $0x0  }
0x1e1: {  	s3 =	rddreg [dreg:$0x2];
	[bflag:$0x3] =	sbarrier.arrive $0xFFFF;
	s2 =	simm.s32 @!p0 $0x1C04  }
0x1e2: {  	[timem:s3], [sflag:s2] =	dma.local @!p0 [hbm:s0], s1  }
0x1e3: {  	s0 =	simm.s32 @!p0 $0x4  }
0x1e4: {  	_ =	swait.ge @!p0 [sflag:s0], s1  }
0x1e5: {  	s1 =	ssub.s32 @!p0 $0x0, s1;
	[sflag:s0] =	ssyncset.done @!p0 $0x0  }
0x1e6: {  	[sflag:s0] =	ssyncadd.s32 @!p0 s1  }
0x1e7: {  	[bflag:$0x3] =	sbarrier.arrive $0xFFFF  }
0x1e8: {  	_ =	shalt  }

</sc_bundles>
